<compile_context>
chip_gen: v7x
topology: tpu7x:2x2x1
jax: 0.10.2.dev20260603
libtpu: 0.0.44.dev20260713+nightly
codegen_flags: <defaults>
</compile_context>

<pallas_src>
import functools

import jax
import jax.numpy as jnp
from jax import lax
from jax.experimental import pallas as pl
from jax.experimental.pallas import tpu as pltpu
from jax.experimental.pallas import tpu_sc as plsc

D = 64
L = 16
NC = 2
NS = 16
NW = NC * NS
C = 512
UNROLL = 4
EPS = 1e-5


def _lane_perm(v, idx):
    dn = lax.GatherDimensionNumbers(
        offset_dims=(), collapsed_slice_dims=(0,), start_index_map=(0,)
    )
    return lax.gather(
        v, idx[:, None], dn, slice_sizes=(1,),
        mode=lax.GatherScatterMode.PROMISE_IN_BOUNDS,
    )


def _ln_body(idx_hbm, table_hbm, w_hbm, b_hbm, out_hbm,
             idx_all, rows_v, w_v, b_v, g_sem, wb_sem):
    wid = lax.axis_index("s") * NC + lax.axis_index("c")
    n_total = out_hbm.shape[0]
    per_w = n_total // NW
    n_chunks = per_w // C

    pltpu.sync_copy(w_hbm, w_v)
    pltpu.sync_copy(b_hbm, b_v)
    wregs = [w_v[pl.ds(L * k, L)] for k in range(D // L)]
    bregs = [b_v[pl.ds(L * k, L)] for k in range(D // L)]

    base = wid * per_w
    lanes = lax.iota(jnp.int32, L)
    perm_idx = [lanes ^ d for d in (8, 4, 2, 1)]

    pltpu.sync_copy(idx_hbm.at[pl.ds(base, per_w)], idx_all)

    def fire_gather(c, buf):
        pltpu.async_copy(
            table_hbm.at[idx_all.at[pl.ds(c * C, C)]],
            rows_v.at[buf],
            g_sem.at[buf],
        )

    def wait_gather(buf):
        pltpu.make_async_copy(
            table_hbm.at[idx_all.at[pl.ds(0, C)]], rows_v.at[buf], g_sem.at[buf]
        ).wait()

    def fire_wb(c, buf):
        pltpu.async_copy(
            rows_v.at[buf], out_hbm.at[pl.ds(base + c * C, C)], wb_sem.at[buf]
        )

    def wait_wb(buf):
        pltpu.make_async_copy(
            rows_v.at[buf], out_hbm.at[pl.ds(base, C)], wb_sem.at[buf]
        ).wait()

    fire_gather(0, 0)

    def chunk_body(c, carry):
        buf = jnp.bitwise_and(c, 1)
        nxt = 1 - buf

        @pl.when(c + 1 < n_chunks)
        def _():
            @pl.when(c >= 1)
            def _():
                wait_wb(nxt)
            fire_gather(c + 1, nxt)

        wait_gather(buf)

        def row_body(ri, rcarry):
            r0 = ri * UNROLL
            for u in range(UNROLL):
                r = r0 + u
                xs = [rows_v[buf, r, pl.ds(L * k, L)] for k in range(D // L)]
                s = (xs[0] + xs[1]) + (xs[2] + xs[3])
                q = (xs[0] * xs[0] + xs[1] * xs[1]) + (xs[2] * xs[2] + xs[3] * xs[3])
                for pi in perm_idx:
                    s = s + _lane_perm(s, pi)
                    q = q + _lane_perm(q, pi)
                mean = s * (1.0 / D)
                var = q * (1.0 / D) - mean * mean
                rv = var + EPS
                iv = lax.bitcast_convert_type(rv, jnp.int32)
                y = lax.bitcast_convert_type(
                    jnp.int32(0x5F3759DF) - (iv >> 1), jnp.float32
                )
                y = y * (1.5 - 0.5 * rv * y * y)
                y = y * (1.5 - 0.5 * rv * y * y)
                for k in range(D // L):
                    rows_v[buf, r, pl.ds(L * k, L)] = (
                        (xs[k] - mean) * y * wregs[k] + bregs[k]
                    )
            return rcarry

        lax.fori_loop(0, C // UNROLL, row_body, 0)
        fire_wb(c, buf)
        return carry

    lax.fori_loop(0, n_chunks, chunk_body, 0)
    wait_wb(0)
    wait_wb(1)


def kernel(input_ids, table_value, ln_weight, ln_bias):
    n = input_ids.size
    idx_flat = input_ids.reshape(n).astype(jnp.int32)
    per_w = n // NW
    mesh = plsc.VectorSubcoreMesh(core_axis_name="c", subcore_axis_name="s")
    run = functools.partial(
        pl.kernel,
        out_type=jax.ShapeDtypeStruct((n, D), jnp.float32),
        mesh=mesh,
        compiler_params=pltpu.CompilerParams(use_tc_tiling_on_sc=False),
        scratch_types=[
            pltpu.VMEM((per_w,), jnp.int32),
            pltpu.VMEM((2, C, D), jnp.float32),
            pltpu.VMEM((D,), jnp.float32),
            pltpu.VMEM((D,), jnp.float32),
            pltpu.SemaphoreType.DMA((2,)),
            pltpu.SemaphoreType.DMA((2,)),
        ],
    )(_ln_body)
    out = run(idx_flat, table_value, ln_weight, ln_bias)
    return out.reshape(input_ids.shape + (D,))

# --- scband reference (transcript-rebuilt; emitter-appended) ---
"""Pipeline reference for scband-cm2-word-embedding-55422257987726 (READ-ONLY COPY).

The authoritative reference and input builder live on the scoring server;
editing this copy changes nothing except your own understanding.
"""

import jax, jax.numpy as jnp
import numpy as np

VOCAB = 1000000
VOCAB_DIM = 64
BATCH = 16384
HIST = 50
EPS = 1e-05

def setup_inputs(seed: int = 0) -> dict:
    key = jax.random.key(seed)
    k1, k2, k3, k4 = jax.random.split(key, 4)
    input_ids = jax.random.randint(k1, (BATCH, HIST), 0, VOCAB, dtype=jnp.int64 if jax.config.jax_enable_x64 else jnp.int32)
    # kaiming-normal-like init for the value embedding table
    std = float(np.sqrt(2.0 / VOCAB_DIM))
    table_value = jax.random.normal(k2, (VOCAB, VOCAB_DIM), dtype=jnp.float32) * std
    # padding_idx=0 row zeroed, as nn.Embedding(padding_idx=0)
    table_value = table_value.at[0].set(0.0)
    ln_weight = jnp.ones((VOCAB_DIM,), dtype=jnp.float32)
    ln_bias = jnp.zeros((VOCAB_DIM,), dtype=jnp.float32)
    return {"input_ids": input_ids, "table_value": table_value, "ln_weight": ln_weight, "ln_bias": ln_bias}

def reference(input_ids, table_value, ln_weight, ln_bias):
    # emb_type == 'value' path: embedding lookup -> LayerNorm -> dropout(p=0, identity)
    emb = jnp.take(table_value, input_ids, axis=0)
    mean = jnp.mean(emb, axis=-1, keepdims=True)
    var = jnp.mean(jnp.square(emb - mean), axis=-1, keepdims=True)
    normed = (emb - mean) * jax.lax.rsqrt(var + EPS)
    out = normed * ln_weight + ln_bias
    return out

if __name__ == "__main__":
    import jax
    _d = setup_inputs()
    print(jax.jit(kernel)(*tuple(_d.values())))

</pallas_src>

<mosaic_0001>
#map = affine_map<(d0, d1) -> (0)>
#map1 = affine_map<(d0, d1) -> (0, 0)>
module attributes {stable_mosaic.version = 14 : i64} {
  func.func @_ln_body(%arg0: i32, %arg1: i32, %arg2: memref<819200xi32, #tpu.memory_space<hbm>>, %arg3: memref<1000000x64xf32, #tpu.memory_space<hbm>>, %arg4: memref<64xf32, #tpu.memory_space<hbm>>, %arg5: memref<64xf32, #tpu.memory_space<hbm>>, %arg6: memref<819200x64xf32, #tpu.memory_space<hbm>>, %arg7: memref<25600xi32, #tpu.memory_space<vmem>>, %arg8: memref<2x512x64xf32, #tpu.memory_space<vmem>>, %arg9: memref<64xf32, #tpu.memory_space<vmem>>, %arg10: memref<64xf32, #tpu.memory_space<vmem>>, %arg11: memref<2x!tpu.dma_semaphore, #tpu.memory_space<semaphore_mem>>, %arg12: memref<2x!tpu.dma_semaphore, #tpu.memory_space<semaphore_mem>>) attributes {dimension_semantics = [#tpu.dimension_semantics<core_parallel>, #tpu.dimension_semantics<subcore_parallel>], iteration_bounds = array<i64: 2, 16>, scalar_prefetch = 0 : i64, scratch_operands = 6 : i64, tpu.core_type = #tpu.core_type<sc_vector_subcore>, window_params = [{transform_indices = #map}, {transform_indices = #map1}, {transform_indices = #map}, {transform_indices = #map}, {transform_indices = #map1}]} {
    %mul3A = arith.constant 2 : i32
    %mul3A_0 = arith.muli %arg1, %mul3A : i32
    %add3A = arith.addi %mul3A_0, %arg0 : i32
    "tpu.region"() ({
      %run_scoped3A = tpu.sem_alloc : memref<!tpu.dma_semaphore, #tpu.memory_space<semaphore_mem>>
      tpu.enqueue_dma source(%arg4 : memref<64xf32, #tpu.memory_space<hbm>>) target(%arg9 : memref<64xf32, #tpu.memory_space<vmem>>) target_semaphore(%run_scoped3A : memref<!tpu.dma_semaphore, #tpu.memory_space<semaphore_mem>>)
      tpu.wait_dma2 semaphore(%run_scoped3A : memref<!tpu.dma_semaphore, #tpu.memory_space<semaphore_mem>>) src(%arg4 : memref<64xf32, #tpu.memory_space<hbm>>) dst(%arg9 : memref<64xf32, #tpu.memory_space<vmem>>)
      tpu.yield
    }) : () -> ()
    "tpu.region"() ({
      %run_scoped3A = tpu.sem_alloc : memref<!tpu.dma_semaphore, #tpu.memory_space<semaphore_mem>>
      tpu.enqueue_dma source(%arg5 : memref<64xf32, #tpu.memory_space<hbm>>) target(%arg10 : memref<64xf32, #tpu.memory_space<vmem>>) target_semaphore(%run_scoped3A : memref<!tpu.dma_semaphore, #tpu.memory_space<semaphore_mem>>)
      tpu.wait_dma2 semaphore(%run_scoped3A : memref<!tpu.dma_semaphore, #tpu.memory_space<semaphore_mem>>) src(%arg5 : memref<64xf32, #tpu.memory_space<hbm>>) dst(%arg10 : memref<64xf32, #tpu.memory_space<vmem>>)
      tpu.yield
    }) : () -> ()
    %get3A = arith.constant 0 : index
    %get3A_1 = tpu.vector_load %arg9[%get3A] {strides = array<i32>} : memref<64xf32, #tpu.memory_space<vmem>>, vector<16xf32>,
    %get3A_2 = vector.shape_cast %get3A_1 : vector<16xf32> to vector<16xf32>
    %get3A_3 = arith.constant 16 : index
    %get3A_4 = tpu.vector_load %arg9[%get3A_3] {strides = array<i32>} : memref<64xf32, #tpu.memory_space<vmem>>, vector<16xf32>,
    %get3A_5 = vector.shape_cast %get3A_4 : vector<16xf32> to vector<16xf32>
    %get3A_6 = arith.constant 32 : index
    %get3A_7 = tpu.vector_load %arg9[%get3A_6] {strides = array<i32>} : memref<64xf32, #tpu.memory_space<vmem>>, vector<16xf32>,
    %get3A_8 = vector.shape_cast %get3A_7 : vector<16xf32> to vector<16xf32>
    %get3A_9 = arith.constant 48 : index
    %get3A_10 = tpu.vector_load %arg9[%get3A_9] {strides = array<i32>} : memref<64xf32, #tpu.memory_space<vmem>>, vector<16xf32>,
    %get3A_11 = vector.shape_cast %get3A_10 : vector<16xf32> to vector<16xf32>
    %get3A_12 = arith.constant 0 : index
    %get3A_13 = tpu.vector_load %arg10[%get3A_12] {strides = array<i32>} : memref<64xf32, #tpu.memory_space<vmem>>, vector<16xf32>,
    %get3A_14 = vector.shape_cast %get3A_13 : vector<16xf32> to vector<16xf32>
    %get3A_15 = arith.constant 16 : index
    %get3A_16 = tpu.vector_load %arg10[%get3A_15] {strides = array<i32>} : memref<64xf32, #tpu.memory_space<vmem>>, vector<16xf32>,
    %get3A_17 = vector.shape_cast %get3A_16 : vector<16xf32> to vector<16xf32>
    %get3A_18 = arith.constant 32 : index
    %get3A_19 = tpu.vector_load %arg10[%get3A_18] {strides = array<i32>} : memref<64xf32, #tpu.memory_space<vmem>>, vector<16xf32>,
    %get3A_20 = vector.shape_cast %get3A_19 : vector<16xf32> to vector<16xf32>
    %get3A_21 = arith.constant 48 : index
    %get3A_22 = tpu.vector_load %arg10[%get3A_21] {strides = array<i32>} : memref<64xf32, #tpu.memory_space<vmem>>, vector<16xf32>,
    %get3A_23 = vector.shape_cast %get3A_22 : vector<16xf32> to vector<16xf32>
    %mul3A_24 = arith.constant 25600 : i32
    %mul3A_25 = arith.muli %add3A, %mul3A_24 : i32
    %iota3A = tpu.iota {dimensions = array<i32: 0>} : vector<16xi32>
    %xor3A = arith.constant 8 : i32
    %xor3A_26 = vector.broadcast %xor3A : i32 to vector<16xi32>
    %xor3A_27 = arith.xori %iota3A, %xor3A_26 : vector<16xi32>
    %xor3A_28 = arith.constant 4 : i32
    %xor3A_29 = vector.broadcast %xor3A_28 : i32 to vector<16xi32>
    %xor3A_30 = arith.xori %iota3A, %xor3A_29 : vector<16xi32>
    %xor3A_31 = arith.constant 2 : i32
    %xor3A_32 = vector.broadcast %xor3A_31 : i32 to vector<16xi32>
    %xor3A_33 = arith.xori %iota3A, %xor3A_32 : vector<16xi32>
    %xor3A_34 = arith.constant 1 : i32
    %xor3A_35 = vector.broadcast %xor3A_34 : i32 to vector<16xi32>
    %xor3A_36 = arith.xori %iota3A, %xor3A_35 : vector<16xi32>
    "tpu.region"() ({
      %run_scoped3A = tpu.sem_alloc : memref<!tpu.dma_semaphore, #tpu.memory_space<semaphore_mem>>
      %dma_start3A_85 = tpu.memref_slice %arg2[%mul3A_25] : memref<819200xi32, #tpu.memory_space<hbm>> -> memref<25600xi32, #tpu.memory_space<hbm>>
      %dma_start3A_86 = tpu.memref_slice %arg2[%mul3A_25] : memref<819200xi32, #tpu.memory_space<hbm>> -> memref<25600xi32, #tpu.memory_space<hbm>>
      tpu.enqueue_dma source(%dma_start3A_86 : memref<25600xi32, #tpu.memory_space<hbm>>) target(%arg7 : memref<25600xi32, #tpu.memory_space<vmem>>) target_semaphore(%run_scoped3A : memref<!tpu.dma_semaphore, #tpu.memory_space<semaphore_mem>>)
      %dma_wait3A_87 = tpu.memref_slice %arg2[%mul3A_25] : memref<819200xi32, #tpu.memory_space<hbm>> -> memref<25600xi32, #tpu.memory_space<hbm>>
      %dma_wait3A_88 = tpu.memref_slice %arg2[%mul3A_25] : memref<819200xi32, #tpu.memory_space<hbm>> -> memref<25600xi32, #tpu.memory_space<hbm>>
      tpu.wait_dma2 semaphore(%run_scoped3A : memref<!tpu.dma_semaphore, #tpu.memory_space<semaphore_mem>>) src(%dma_wait3A_88 : memref<25600xi32, #tpu.memory_space<hbm>>) dst(%arg7 : memref<25600xi32, #tpu.memory_space<vmem>>)
      tpu.yield
    }) : () -> ()
    %dma_start3A = arith.constant 0 : i32
    %dma_start3A_37 = arith.constant 0 : i32
    %dma_start3A_38 = arith.constant 0 : i32
    %dma_start3A_39 = arith.constant 0 : i32
    %dma_start3A_40 = tpu.memref_slice %arg8[%dma_start3A, %dma_start3A_38, %dma_start3A_39] : memref<2x512x64xf32, #tpu.memory_space<vmem>> -> memref<1x512x64xf32, #tpu.memory_space<vmem>>
    %dma_start3A_41 = tpu.memref_squeeze %dma_start3A_40 : memref<1x512x64xf32, #tpu.memory_space<vmem>> -> memref<512x64xf32, #tpu.memory_space<vmem>>
    %dma_start3A_42 = arith.constant 0 : i32
    %dma_start3A_43 = tpu.memref_slice %arg7[%dma_start3A_42] : memref<25600xi32, #tpu.memory_space<vmem>> -> memref<512xi32, #tpu.memory_space<vmem>>
    %dma_start3A_44 = arith.constant 0 : i32
    %dma_start3A_45 = arith.constant 0 : i32
    %dma_start3A_46 = tpu.memref_slice %arg3[%dma_start3A_44, %dma_start3A_45] : memref<1000000x64xf32, #tpu.memory_space<hbm>> -> memref<1000000x64xf32, #tpu.memory_space<hbm>>
    %dma_start3A_47 = tpu.memref_slice %arg11[%dma_start3A_37] : memref<2x!tpu.dma_semaphore, #tpu.memory_space<semaphore_mem>> -> memref<1x!tpu.dma_semaphore, #tpu.memory_space<semaphore_mem>>
    %dma_start3A_48 = tpu.memref_squeeze %dma_start3A_47 : memref<1x!tpu.dma_semaphore, #tpu.memory_space<semaphore_mem>> -> memref<!tpu.dma_semaphore, #tpu.memory_space<semaphore_mem>>
    tpu.enqueue_indirect_dma source(%dma_start3A_46 : memref<1000000x64xf32, #tpu.memory_space<hbm>>) target(%dma_start3A_41 : memref<512x64xf32, #tpu.memory_space<vmem>>) offsets(%dma_start3A_43 : memref<512xi32, #tpu.memory_space<vmem>>) semaphore(%dma_start3A_48 : memref<!tpu.dma_semaphore, #tpu.memory_space<semaphore_mem>>)
    %scan3A = arith.constant 0 : i32
    %scan3A_49 = arith.constant 0 : i32
    %scan3A_50 = arith.constant 50 : i32
    %scan3A_51 = arith.addi %scan3A_49, %scan3A_50 : i32
    %scan3A_52 = arith.constant 1 : i32
    scf.for %scan3A_85 = %scan3A_49 to %scan3A_51 step %scan3A_52  : i32 {
      %and3A = arith.constant 1 : i32
      %and3A_86 = arith.andi %scan3A_85, %and3A : i32
      %sub3A = arith.constant 1 : i32
      %sub3A_87 = arith.subi %sub3A, %and3A_86 : i32
      %add3A_88 = arith.constant 1 : i32
      %add3A_89 = arith.addi %scan3A_85, %add3A_88 : i32
      %lt3A = arith.constant 50 : i32
      %lt3A_90 = arith.cmpi slt, %add3A_89, %lt3A : i32
      %convert_element_type3A = arith.extui %lt3A_90 : i1 to i32
      %cond3A = arith.constant 0 : i32
      %cond3A_91 = arith.cmpi ne, %convert_element_type3A, %cond3A : i32
      scf.if %cond3A_91 {
        %ge3A = arith.constant 1 : i32
        %ge3A_126 = arith.cmpi sge, %scan3A_85, %ge3A : i32
        %convert_element_type3A_127 = arith.extui %ge3A_126 : i1 to i32
        %cond3A_128 = arith.constant 0 : i32
        %cond3A_129 = arith.cmpi ne, %convert_element_type3A_127, %cond3A_128 : i32
        scf.if %cond3A_129 {
          %dma_wait3A_144 = arith.constant 0 : i32
          %dma_wait3A_145 = arith.constant 0 : i32
          %dma_wait3A_146 = tpu.memref_slice %arg8[%sub3A_87, %dma_wait3A_144, %dma_wait3A_145] : memref<2x512x64xf32, #tpu.memory_space<vmem>> -> memref<1x512x64xf32, #tpu.memory_space<vmem>>
          %dma_wait3A_147 = tpu.memref_squeeze %dma_wait3A_146 : memref<1x512x64xf32, #tpu.memory_space<vmem>> -> memref<512x64xf32, #tpu.memory_space<vmem>>
          %dma_wait3A_148 = arith.constant 0 : i32
          %dma_wait3A_149 = tpu.memref_slice %arg6[%mul3A_25, %dma_wait3A_148] : memref<819200x64xf32, #tpu.memory_space<hbm>> -> memref<512x64xf32, #tpu.memory_space<hbm>>
          %dma_wait3A_150 = tpu.memref_slice %arg12[%sub3A_87] : memref<2x!tpu.dma_semaphore, #tpu.memory_space<semaphore_mem>> -> memref<1x!tpu.dma_semaphore, #tpu.memory_space<semaphore_mem>>
          %dma_wait3A_151 = tpu.memref_squeeze %dma_wait3A_150 : memref<1x!tpu.dma_semaphore, #tpu.memory_space<semaphore_mem>> -> memref<!tpu.dma_semaphore, #tpu.memory_space<semaphore_mem>>
          %dma_wait3A_152 = arith.constant 0 : i32
          %dma_wait3A_153 = tpu.memref_slice %arg6[%mul3A_25, %dma_wait3A_152] : memref<819200x64xf32, #tpu.memory_space<hbm>> -> memref<512x64xf32, #tpu.memory_space<hbm>>
          %dma_wait3A_154 = arith.constant 0 : i32
          %dma_wait3A_155 = arith.constant 0 : i32
          %dma_wait3A_156 = tpu.memref_slice %arg8[%sub3A_87, %dma_wait3A_154, %dma_wait3A_155] : memref<2x512x64xf32, #tpu.memory_space<vmem>> -> memref<1x512x64xf32, #tpu.memory_space<vmem>>
          %dma_wait3A_157 = tpu.memref_squeeze %dma_wait3A_156 : memref<1x512x64xf32, #tpu.memory_space<vmem>> -> memref<512x64xf32, #tpu.memory_space<vmem>>
          tpu.wait_dma2 semaphore(%dma_wait3A_151 : memref<!tpu.dma_semaphore, #tpu.memory_space<semaphore_mem>>) src(%dma_wait3A_157 : memref<512x64xf32, #tpu.memory_space<vmem>>) dst(%dma_wait3A_153 : memref<512x64xf32, #tpu.memory_space<hbm>>)
        } else {
        }
        %add3A_130 = arith.constant 1 : i32
        %add3A_131 = arith.addi %scan3A_85, %add3A_130 : i32
        %mul3A_132 = arith.constant 512 : i32
        %mul3A_133 = arith.muli %add3A_131, %mul3A_132 : i32
        %dma_start3A_134 = arith.constant 0 : i32
        %dma_start3A_135 = arith.constant 0 : i32
        %dma_start3A_136 = tpu.memref_slice %arg8[%sub3A_87, %dma_start3A_134, %dma_start3A_135] : memref<2x512x64xf32, #tpu.memory_space<vmem>> -> memref<1x512x64xf32, #tpu.memory_space<vmem>>
        %dma_start3A_137 = tpu.memref_squeeze %dma_start3A_136 : memref<1x512x64xf32, #tpu.memory_space<vmem>> -> memref<512x64xf32, #tpu.memory_space<vmem>>
        %dma_start3A_138 = tpu.memref_slice %arg7[%mul3A_133] : memref<25600xi32, #tpu.memory_space<vmem>> -> memref<512xi32, #tpu.memory_space<vmem>>
        %dma_start3A_139 = arith.constant 0 : i32
        %dma_start3A_140 = arith.constant 0 : i32
        %dma_start3A_141 = tpu.memref_slice %arg3[%dma_start3A_139, %dma_start3A_140] : memref<1000000x64xf32, #tpu.memory_space<hbm>> -> memref<1000000x64xf32, #tpu.memory_space<hbm>>
        %dma_start3A_142 = tpu.memref_slice %arg11[%sub3A_87] : memref<2x!tpu.dma_semaphore, #tpu.memory_space<semaphore_mem>> -> memref<1x!tpu.dma_semaphore, #tpu.memory_space<semaphore_mem>>
        %dma_start3A_143 = tpu.memref_squeeze %dma_start3A_142 : memref<1x!tpu.dma_semaphore, #tpu.memory_space<semaphore_mem>> -> memref<!tpu.dma_semaphore, #tpu.memory_space<semaphore_mem>>
        tpu.enqueue_indirect_dma source(%dma_start3A_141 : memref<1000000x64xf32, #tpu.memory_space<hbm>>) target(%dma_start3A_137 : memref<512x64xf32, #tpu.memory_space<vmem>>) offsets(%dma_start3A_138 : memref<512xi32, #tpu.memory_space<vmem>>) semaphore(%dma_start3A_143 : memref<!tpu.dma_semaphore, #tpu.memory_space<semaphore_mem>>)
      } else {
      }
      %dma_wait3A_92 = arith.constant 0 : i32
      %dma_wait3A_93 = arith.constant 0 : i32
      %dma_wait3A_94 = tpu.memref_slice %arg8[%and3A_86, %dma_wait3A_92, %dma_wait3A_93] : memref<2x512x64xf32, #tpu.memory_space<vmem>> -> memref<1x512x64xf32, #tpu.memory_space<vmem>>
      %dma_wait3A_95 = tpu.memref_squeeze %dma_wait3A_94 : memref<1x512x64xf32, #tpu.memory_space<vmem>> -> memref<512x64xf32, #tpu.memory_space<vmem>>
      %dma_wait3A_96 = arith.constant 0 : i32
      %dma_wait3A_97 = tpu.memref_slice %arg7[%dma_wait3A_96] : memref<25600xi32, #tpu.memory_space<vmem>> -> memref<512xi32, #tpu.memory_space<vmem>>
      %dma_wait3A_98 = arith.constant 0 : i32
      %dma_wait3A_99 = arith.constant 0 : i32
      %dma_wait3A_100 = tpu.memref_slice %arg3[%dma_wait3A_98, %dma_wait3A_99] : memref<1000000x64xf32, #tpu.memory_space<hbm>> -> memref<1000000x64xf32, #tpu.memory_space<hbm>>
      %dma_wait3A_101 = tpu.memref_slice %arg11[%and3A_86] : memref<2x!tpu.dma_semaphore, #tpu.memory_space<semaphore_mem>> -> memref<1x!tpu.dma_semaphore, #tpu.memory_space<semaphore_mem>>
      %dma_wait3A_102 = tpu.memref_squeeze %dma_wait3A_101 : memref<1x!tpu.dma_semaphore, #tpu.memory_space<semaphore_mem>> -> memref<!tpu.dma_semaphore, #tpu.memory_space<semaphore_mem>>
      tpu.wait_indirect_dma semaphore(%dma_wait3A_102 : memref<!tpu.dma_semaphore, #tpu.memory_space<semaphore_mem>>) src(%dma_wait3A_100 : memref<1000000x64xf32, #tpu.memory_space<hbm>>) dst(%dma_wait3A_95 : memref<512x64xf32, #tpu.memory_space<vmem>>)
      %scan3A_103 = arith.constant 0 : i32
      %scan3A_104 = arith.constant 0 : i32
      %scan3A_105 = arith.constant 128 : i32
      %scan3A_106 = arith.addi %scan3A_104, %scan3A_105 : i32
      %scan3A_107 = arith.constant 1 : i32
      scf.for %scan3A_126 = %scan3A_104 to %scan3A_106 step %scan3A_107  : i32 {
        %mul3A_127 = arith.constant 4 : i32
        %mul3A_128 = arith.muli %scan3A_126, %mul3A_127 : i32
        %add3A_129 = arith.constant 0 : i32
        %add3A_130 = arith.addi %mul3A_128, %add3A_129 : i32
        %get3A_131 = arith.index_cast %and3A_86 : i32 to index
        %get3A_132 = arith.index_cast %add3A_130 : i32 to index
        %get3A_133 = arith.constant 0 : index
        %get3A_134 = tpu.vector_load %arg8[%get3A_131, %get3A_132, %get3A_133] {strides = array<i32>} : memref<2x512x64xf32, #tpu.memory_space<vmem>>, vector<1x1x16xf32>,
        %get3A_135 = vector.shape_cast %get3A_134 : vector<1x1x16xf32> to vector<16xf32>
        %get3A_136 = arith.index_cast %and3A_86 : i32 to index
        %get3A_137 = arith.index_cast %add3A_130 : i32 to index
        %get3A_138 = arith.constant 16 : index
        %get3A_139 = tpu.vector_load %arg8[%get3A_136, %get3A_137, %get3A_138] {strides = array<i32>} : memref<2x512x64xf32, #tpu.memory_space<vmem>>, vector<1x1x16xf32>,
        %get3A_140 = vector.shape_cast %get3A_139 : vector<1x1x16xf32> to vector<16xf32>
        %get3A_141 = arith.index_cast %and3A_86 : i32 to index
        %get3A_142 = arith.index_cast %add3A_130 : i32 to index
        %get3A_143 = arith.constant 32 : index
        %get3A_144 = tpu.vector_load %arg8[%get3A_141, %get3A_142, %get3A_143] {strides = array<i32>} : memref<2x512x64xf32, #tpu.memory_space<vmem>>, vector<1x1x16xf32>,
        %get3A_145 = vector.shape_cast %get3A_144 : vector<1x1x16xf32> to vector<16xf32>
        %get3A_146 = arith.index_cast %and3A_86 : i32 to index
        %get3A_147 = arith.index_cast %add3A_130 : i32 to index
        %get3A_148 = arith.constant 48 : index
        %get3A_149 = tpu.vector_load %arg8[%get3A_146, %get3A_147, %get3A_148] {strides = array<i32>} : memref<2x512x64xf32, #tpu.memory_space<vmem>>, vector<1x1x16xf32>,
        %get3A_150 = vector.shape_cast %get3A_149 : vector<1x1x16xf32> to vector<16xf32>
        %add3A_151 = arith.addf %get3A_135, %get3A_140 : vector<16xf32>
        %add3A_152 = arith.addf %get3A_145, %get3A_150 : vector<16xf32>
        %add3A_153 = arith.addf %add3A_151, %add3A_152 : vector<16xf32>
        %mul3A_154 = arith.mulf %get3A_135, %get3A_135 : vector<16xf32>
        %mul3A_155 = arith.mulf %get3A_140, %get3A_140 : vector<16xf32>
        %add3A_156 = arith.addf %mul3A_154, %mul3A_155 : vector<16xf32>
        %mul3A_157 = arith.mulf %get3A_145, %get3A_145 : vector<16xf32>
        %mul3A_158 = arith.mulf %get3A_150, %get3A_150 : vector<16xf32>
        %add3A_159 = arith.addf %mul3A_157, %mul3A_158 : vector<16xf32>
        %add3A_160 = arith.addf %add3A_156, %add3A_159 : vector<16xf32>
        %broadcast_in_dim3A = vector.shape_cast %xor3A_27 : vector<16xi32> to vector<16x1xi32>
        %gather3A = vector.shape_cast %broadcast_in_dim3A : vector<16x1xi32> to vector<16xi32>
        %gather3A_161 = tpu.dynamic_gather %add3A_153[%gather3A] in [0] : vector<16xf32>, vector<16xi32> -> vector<16xf32>
        %add3A_162 = arith.addf %add3A_153, %gather3A_161 : vector<16xf32>
        %broadcast_in_dim3A_163 = vector.shape_cast %xor3A_27 : vector<16xi32> to vector<16x1xi32>
        %gather3A_164 = vector.shape_cast %broadcast_in_dim3A_163 : vector<16x1xi32> to vector<16xi32>
        %gather3A_165 = tpu.dynamic_gather %add3A_160[%gather3A_164] in [0] : vector<16xf32>, vector<16xi32> -> vector<16xf32>
        %add3A_166 = arith.addf %add3A_160, %gather3A_165 : vector<16xf32>
        %broadcast_in_dim3A_167 = vector.shape_cast %xor3A_30 : vector<16xi32> to vector<16x1xi32>
        %gather3A_168 = vector.shape_cast %broadcast_in_dim3A_167 : vector<16x1xi32> to vector<16xi32>
        %gather3A_169 = tpu.dynamic_gather %add3A_162[%gather3A_168] in [0] : vector<16xf32>, vector<16xi32> -> vector<16xf32>
        %add3A_170 = arith.addf %add3A_162, %gather3A_169 : vector<16xf32>
        %broadcast_in_dim3A_171 = vector.shape_cast %xor3A_30 : vector<16xi32> to vector<16x1xi32>
        %gather3A_172 = vector.shape_cast %broadcast_in_dim3A_171 : vector<16x1xi32> to vector<16xi32>
        %gather3A_173 = tpu.dynamic_gather %add3A_166[%gather3A_172] in [0] : vector<16xf32>, vector<16xi32> -> vector<16xf32>
        %add3A_174 = arith.addf %add3A_166, %gather3A_173 : vector<16xf32>
        %broadcast_in_dim3A_175 = vector.shape_cast %xor3A_33 : vector<16xi32> to vector<16x1xi32>
        %gather3A_176 = vector.shape_cast %broadcast_in_dim3A_175 : vector<16x1xi32> to vector<16xi32>
        %gather3A_177 = tpu.dynamic_gather %add3A_170[%gather3A_176] in [0] : vector<16xf32>, vector<16xi32> -> vector<16xf32>
        %add3A_178 = arith.addf %add3A_170, %gather3A_177 : vector<16xf32>
        %broadcast_in_dim3A_179 = vector.shape_cast %xor3A_33 : vector<16xi32> to vector<16x1xi32>
        %gather3A_180 = vector.shape_cast %broadcast_in_dim3A_179 : vector<16x1xi32> to vector<16xi32>
        %gather3A_181 = tpu.dynamic_gather %add3A_174[%gather3A_180] in [0] : vector<16xf32>, vector<16xi32> -> vector<16xf32>
        %add3A_182 = arith.addf %add3A_174, %gather3A_181 : vector<16xf32>
        %broadcast_in_dim3A_183 = vector.shape_cast %xor3A_36 : vector<16xi32> to vector<16x1xi32>
        %gather3A_184 = vector.shape_cast %broadcast_in_dim3A_183 : vector<16x1xi32> to vector<16xi32>
        %gather3A_185 = tpu.dynamic_gather %add3A_178[%gather3A_184] in [0] : vector<16xf32>, vector<16xi32> -> vector<16xf32>
        %add3A_186 = arith.addf %add3A_178, %gather3A_185 : vector<16xf32>
        %broadcast_in_dim3A_187 = vector.shape_cast %xor3A_36 : vector<16xi32> to vector<16x1xi32>
        %gather3A_188 = vector.shape_cast %broadcast_in_dim3A_187 : vector<16x1xi32> to vector<16xi32>
        %gather3A_189 = tpu.dynamic_gather %add3A_182[%gather3A_188] in [0] : vector<16xf32>, vector<16xi32> -> vector<16xf32>
        %add3A_190 = arith.addf %add3A_182, %gather3A_189 : vector<16xf32>
        %mul3A_191 = arith.constant 1.562500e-02 : f32
        %mul3A_192 = vector.broadcast %mul3A_191 : f32 to vector<16xf32>
        %mul3A_193 = arith.mulf %add3A_186, %mul3A_192 : vector<16xf32>
        %mul3A_194 = arith.constant 1.562500e-02 : f32
        %mul3A_195 = vector.broadcast %mul3A_194 : f32 to vector<16xf32>
        %mul3A_196 = arith.mulf %add3A_190, %mul3A_195 : vector<16xf32>
        %mul3A_197 = arith.mulf %mul3A_193, %mul3A_193 : vector<16xf32>
        %sub3A_198 = arith.subf %mul3A_196, %mul3A_197 : vector<16xf32>
        %add3A_199 = arith.constant 9.99999974E-6 : f32
        %add3A_200 = vector.broadcast %add3A_199 : f32 to vector<16xf32>
        %add3A_201 = arith.addf %sub3A_198, %add3A_200 : vector<16xf32>
        %bitcast_convert_type3A = tpu.bitcast %add3A_201 : vector<16xf32> -> vector<16xi32>
        %shift_right_arithmetic3A = arith.constant 1 : i32
        %shift_right_arithmetic3A_202 = vector.broadcast %shift_right_arithmetic3A : i32 to vector<16xi32>
        %shift_right_arithmetic3A_203 = arith.shrsi %bitcast_convert_type3A, %shift_right_arithmetic3A_202 : vector<16xi32>
        %sub3A_204 = arith.constant 1597463007 : i32
        %sub3A_205 = vector.broadcast %sub3A_204 : i32 to vector<16xi32>
        %sub3A_206 = arith.subi %sub3A_205, %shift_right_arithmetic3A_203 : vector<16xi32>
        %bitcast_convert_type3A_207 = tpu.bitcast %sub3A_206 : vector<16xi32> -> vector<16xf32>
        %mul3A_208 = arith.constant 5.000000e-01 : f32
        %mul3A_209 = vector.broadcast %mul3A_208 : f32 to vector<16xf32>
        %mul3A_210 = arith.mulf %mul3A_209, %add3A_201 : vector<16xf32>
        %mul3A_211 = arith.mulf %mul3A_210, %bitcast_convert_type3A_207 : vector<16xf32>
        %mul3A_212 = arith.mulf %mul3A_211, %bitcast_convert_type3A_207 : vector<16xf32>
        %sub3A_213 = arith.constant 1.500000e+00 : f32
        %sub3A_214 = vector.broadcast %sub3A_213 : f32 to vector<16xf32>
        %sub3A_215 = arith.subf %sub3A_214, %mul3A_212 : vector<16xf32>
        %mul3A_216 = arith.mulf %bitcast_convert_type3A_207, %sub3A_215 : vector<16xf32>
        %mul3A_217 = arith.constant 5.000000e-01 : f32
        %mul3A_218 = vector.broadcast %mul3A_217 : f32 to vector<16xf32>
        %mul3A_219 = arith.mulf %mul3A_218, %add3A_201 : vector<16xf32>
        %mul3A_220 = arith.mulf %mul3A_219, %mul3A_216 : vector<16xf32>
        %mul3A_221 = arith.mulf %mul3A_220, %mul3A_216 : vector<16xf32>
        %sub3A_222 = arith.constant 1.500000e+00 : f32
        %sub3A_223 = vector.broadcast %sub3A_222 : f32 to vector<16xf32>
        %sub3A_224 = arith.subf %sub3A_223, %mul3A_221 : vector<16xf32>
        %mul3A_225 = arith.mulf %mul3A_216, %sub3A_224 : vector<16xf32>
        %sub3A_226 = arith.subf %get3A_135, %mul3A_193 : vector<16xf32>
        %mul3A_227 = arith.mulf %sub3A_226, %mul3A_225 : vector<16xf32>
        %mul3A_228 = arith.mulf %mul3A_227, %get3A_2 : vector<16xf32>
        %add3A_229 = arith.addf %mul3A_228, %get3A_14 : vector<16xf32>
        %swap3A = arith.index_cast %and3A_86 : i32 to index
        %swap3A_230 = arith.index_cast %add3A_130 : i32 to index
        %swap3A_231 = arith.constant 0 : index
        %swap3A_232 = tpu.vector_load %arg8[%swap3A, %swap3A_230, %swap3A_231] {strides = array<i32>} : memref<2x512x64xf32, #tpu.memory_space<vmem>>, vector<1x1x16xf32>,
        %swap3A_233 = vector.shape_cast %swap3A_232 : vector<1x1x16xf32> to vector<16xf32>
        %swap3A_234 = vector.shape_cast %add3A_229 : vector<16xf32> to vector<1x1x16xf32>
        tpu.vector_store %arg8[%swap3A, %swap3A_230, %swap3A_231], %swap3A_234 {strides = array<i32>} : memref<2x512x64xf32, #tpu.memory_space<vmem>>, vector<1x1x16xf32>,
        %sub3A_235 = arith.subf %get3A_140, %mul3A_193 : vector<16xf32>
        %mul3A_236 = arith.mulf %sub3A_235, %mul3A_225 : vector<16xf32>
        %mul3A_237 = arith.mulf %mul3A_236, %get3A_5 : vector<16xf32>
        %add3A_238 = arith.addf %mul3A_237, %get3A_17 : vector<16xf32>
        %swap3A_239 = arith.index_cast %and3A_86 : i32 to index
        %swap3A_240 = arith.index_cast %add3A_130 : i32 to index
        %swap3A_241 = arith.constant 16 : index
        %swap3A_242 = tpu.vector_load %arg8[%swap3A_239, %swap3A_240, %swap3A_241] {strides = array<i32>} : memref<2x512x64xf32, #tpu.memory_space<vmem>>, vector<1x1x16xf32>,
        %swap3A_243 = vector.shape_cast %swap3A_242 : vector<1x1x16xf32> to vector<16xf32>
        %swap3A_244 = vector.shape_cast %add3A_238 : vector<16xf32> to vector<1x1x16xf32>
        tpu.vector_store %arg8[%swap3A_239, %swap3A_240, %swap3A_241], %swap3A_244 {strides = array<i32>} : memref<2x512x64xf32, #tpu.memory_space<vmem>>, vector<1x1x16xf32>,
        %sub3A_245 = arith.subf %get3A_145, %mul3A_193 : vector<16xf32>
        %mul3A_246 = arith.mulf %sub3A_245, %mul3A_225 : vector<16xf32>
        %mul3A_247 = arith.mulf %mul3A_246, %get3A_8 : vector<16xf32>
        %add3A_248 = arith.addf %mul3A_247, %get3A_20 : vector<16xf32>
        %swap3A_249 = arith.index_cast %and3A_86 : i32 to index
        %swap3A_250 = arith.index_cast %add3A_130 : i32 to index
        %swap3A_251 = arith.constant 32 : index
        %swap3A_252 = tpu.vector_load %arg8[%swap3A_249, %swap3A_250, %swap3A_251] {strides = array<i32>} : memref<2x512x64xf32, #tpu.memory_space<vmem>>, vector<1x1x16xf32>,
        %swap3A_253 = vector.shape_cast %swap3A_252 : vector<1x1x16xf32> to vector<16xf32>
        %swap3A_254 = vector.shape_cast %add3A_248 : vector<16xf32> to vector<1x1x16xf32>
        tpu.vector_store %arg8[%swap3A_249, %swap3A_250, %swap3A_251], %swap3A_254 {strides = array<i32>} : memref<2x512x64xf32, #tpu.memory_space<vmem>>, vector<1x1x16xf32>,
        %sub3A_255 = arith.subf %get3A_150, %mul3A_193 : vector<16xf32>
        %mul3A_256 = arith.mulf %sub3A_255, %mul3A_225 : vector<16xf32>
        %mul3A_257 = arith.mulf %mul3A_256, %get3A_11 : vector<16xf32>
        %add3A_258 = arith.addf %mul3A_257, %get3A_23 : vector<16xf32>
        %swap3A_259 = arith.index_cast %and3A_86 : i32 to index
        %swap3A_260 = arith.index_cast %add3A_130 : i32 to index
        %swap3A_261 = arith.constant 48 : index
        %swap3A_262 = tpu.vector_load %arg8[%swap3A_259, %swap3A_260, %swap3A_261] {strides = array<i32>} : memref<2x512x64xf32, #tpu.memory_space<vmem>>, vector<1x1x16xf32>,
        %swap3A_263 = vector.shape_cast %swap3A_262 : vector<1x1x16xf32> to vector<16xf32>
        %swap3A_264 = vector.shape_cast %add3A_258 : vector<16xf32> to vector<1x1x16xf32>
        tpu.vector_store %arg8[%swap3A_259, %swap3A_260, %swap3A_261], %swap3A_264 {strides = array<i32>} : memref<2x512x64xf32, #tpu.memory_space<vmem>>, vector<1x1x16xf32>,
        %add3A_265 = arith.constant 1 : i32
        %add3A_266 = arith.addi %mul3A_128, %add3A_265 : i32
        %get3A_267 = arith.index_cast %and3A_86 : i32 to index
        %get3A_268 = arith.index_cast %add3A_266 : i32 to index
        %get3A_269 = arith.constant 0 : index
        %get3A_270 = tpu.vector_load %arg8[%get3A_267, %get3A_268, %get3A_269] {strides = array<i32>} : memref<2x512x64xf32, #tpu.memory_space<vmem>>, vector<1x1x16xf32>,
        %get3A_271 = vector.shape_cast %get3A_270 : vector<1x1x16xf32> to vector<16xf32>
        %get3A_272 = arith.index_cast %and3A_86 : i32 to index
        %get3A_273 = arith.index_cast %add3A_266 : i32 to index
        %get3A_274 = arith.constant 16 : index
        %get3A_275 = tpu.vector_load %arg8[%get3A_272, %get3A_273, %get3A_274] {strides = array<i32>} : memref<2x512x64xf32, #tpu.memory_space<vmem>>, vector<1x1x16xf32>,
        %get3A_276 = vector.shape_cast %get3A_275 : vector<1x1x16xf32> to vector<16xf32>
        %get3A_277 = arith.index_cast %and3A_86 : i32 to index
        %get3A_278 = arith.index_cast %add3A_266 : i32 to index
        %get3A_279 = arith.constant 32 : index
        %get3A_280 = tpu.vector_load %arg8[%get3A_277, %get3A_278, %get3A_279] {strides = array<i32>} : memref<2x512x64xf32, #tpu.memory_space<vmem>>, vector<1x1x16xf32>,
        %get3A_281 = vector.shape_cast %get3A_280 : vector<1x1x16xf32> to vector<16xf32>
        %get3A_282 = arith.index_cast %and3A_86 : i32 to index
        %get3A_283 = arith.index_cast %add3A_266 : i32 to index
        %get3A_284 = arith.constant 48 : index
        %get3A_285 = tpu.vector_load %arg8[%get3A_282, %get3A_283, %get3A_284] {strides = array<i32>} : memref<2x512x64xf32, #tpu.memory_space<vmem>>, vector<1x1x16xf32>,
        %get3A_286 = vector.shape_cast %get3A_285 : vector<1x1x16xf32> to vector<16xf32>
        %add3A_287 = arith.addf %get3A_271, %get3A_276 : vector<16xf32>
        %add3A_288 = arith.addf %get3A_281, %get3A_286 : vector<16xf32>
        %add3A_289 = arith.addf %add3A_287, %add3A_288 : vector<16xf32>
        %mul3A_290 = arith.mulf %get3A_271, %get3A_271 : vector<16xf32>
        %mul3A_291 = arith.mulf %get3A_276, %get3A_276 : vector<16xf32>
        %add3A_292 = arith.addf %mul3A_290, %mul3A_291 : vector<16xf32>
        %mul3A_293 = arith.mulf %get3A_281, %get3A_281 : vector<16xf32>
        %mul3A_294 = arith.mulf %get3A_286, %get3A_286 : vector<16xf32>
        %add3A_295 = arith.addf %mul3A_293, %mul3A_294 : vector<16xf32>
        %add3A_296 = arith.addf %add3A_292, %add3A_295 : vector<16xf32>
        %broadcast_in_dim3A_297 = vector.shape_cast %xor3A_27 : vector<16xi32> to vector<16x1xi32>
        %gather3A_298 = vector.shape_cast %broadcast_in_dim3A_297 : vector<16x1xi32> to vector<16xi32>
        %gather3A_299 = tpu.dynamic_gather %add3A_289[%gather3A_298] in [0] : vector<16xf32>, vector<16xi32> -> vector<16xf32>
        %add3A_300 = arith.addf %add3A_289, %gather3A_299 : vector<16xf32>
        %broadcast_in_dim3A_301 = vector.shape_cast %xor3A_27 : vector<16xi32> to vector<16x1xi32>
        %gather3A_302 = vector.shape_cast %broadcast_in_dim3A_301 : vector<16x1xi32> to vector<16xi32>
        %gather3A_303 = tpu.dynamic_gather %add3A_296[%gather3A_302] in [0] : vector<16xf32>, vector<16xi32> -> vector<16xf32>
        %add3A_304 = arith.addf %add3A_296, %gather3A_303 : vector<16xf32>
        %broadcast_in_dim3A_305 = vector.shape_cast %xor3A_30 : vector<16xi32> to vector<16x1xi32>
        %gather3A_306 = vector.shape_cast %broadcast_in_dim3A_305 : vector<16x1xi32> to vector<16xi32>
        %gather3A_307 = tpu.dynamic_gather %add3A_300[%gather3A_306] in [0] : vector<16xf32>, vector<16xi32> -> vector<16xf32>
        %add3A_308 = arith.addf %add3A_300, %gather3A_307 : vector<16xf32>
        %broadcast_in_dim3A_309 = vector.shape_cast %xor3A_30 : vector<16xi32> to vector<16x1xi32>
        %gather3A_310 = vector.shape_cast %broadcast_in_dim3A_309 : vector<16x1xi32> to vector<16xi32>
        %gather3A_311 = tpu.dynamic_gather %add3A_304[%gather3A_310] in [0] : vector<16xf32>, vector<16xi32> -> vector<16xf32>
        %add3A_312 = arith.addf %add3A_304, %gather3A_311 : vector<16xf32>
        %broadcast_in_dim3A_313 = vector.shape_cast %xor3A_33 : vector<16xi32> to vector<16x1xi32>
        %gather3A_314 = vector.shape_cast %broadcast_in_dim3A_313 : vector<16x1xi32> to vector<16xi32>
        %gather3A_315 = tpu.dynamic_gather %add3A_308[%gather3A_314] in [0] : vector<16xf32>, vector<16xi32> -> vector<16xf32>
        %add3A_316 = arith.addf %add3A_308, %gather3A_315 : vector<16xf32>
        %broadcast_in_dim3A_317 = vector.shape_cast %xor3A_33 : vector<16xi32> to vector<16x1xi32>
        %gather3A_318 = vector.shape_cast %broadcast_in_dim3A_317 : vector<16x1xi32> to vector<16xi32>
        %gather3A_319 = tpu.dynamic_gather %add3A_312[%gather3A_318] in [0] : vector<16xf32>, vector<16xi32> -> vector<16xf32>
        %add3A_320 = arith.addf %add3A_312, %gather3A_319 : vector<16xf32>
        %broadcast_in_dim3A_321 = vector.shape_cast %xor3A_36 : vector<16xi32> to vector<16x1xi32>
        %gather3A_322 = vector.shape_cast %broadcast_in_dim3A_321 : vector<16x1xi32> to vector<16xi32>
        %gather3A_323 = tpu.dynamic_gather %add3A_316[%gather3A_322] in [0] : vector<16xf32>, vector<16xi32> -> vector<16xf32>
        %add3A_324 = arith.addf %add3A_316, %gather3A_323 : vector<16xf32>
        %broadcast_in_dim3A_325 = vector.shape_cast %xor3A_36 : vector<16xi32> to vector<16x1xi32>
        %gather3A_326 = vector.shape_cast %broadcast_in_dim3A_325 : vector<16x1xi32> to vector<16xi32>
        %gather3A_327 = tpu.dynamic_gather %add3A_320[%gather3A_326] in [0] : vector<16xf32>, vector<16xi32> -> vector<16xf32>
        %add3A_328 = arith.addf %add3A_320, %gather3A_327 : vector<16xf32>
        %mul3A_329 = arith.constant 1.562500e-02 : f32
        %mul3A_330 = vector.broadcast %mul3A_329 : f32 to vector<16xf32>
        %mul3A_331 = arith.mulf %add3A_324, %mul3A_330 : vector<16xf32>
        %mul3A_332 = arith.constant 1.562500e-02 : f32
        %mul3A_333 = vector.broadcast %mul3A_332 : f32 to vector<16xf32>
        %mul3A_334 = arith.mulf %add3A_328, %mul3A_333 : vector<16xf32>
        %mul3A_335 = arith.mulf %mul3A_331, %mul3A_331 : vector<16xf32>
        %sub3A_336 = arith.subf %mul3A_334, %mul3A_335 : vector<16xf32>
        %add3A_337 = arith.constant 9.99999974E-6 : f32
        %add3A_338 = vector.broadcast %add3A_337 : f32 to vector<16xf32>
        %add3A_339 = arith.addf %sub3A_336, %add3A_338 : vector<16xf32>
        %bitcast_convert_type3A_340 = tpu.bitcast %add3A_339 : vector<16xf32> -> vector<16xi32>
        %shift_right_arithmetic3A_341 = arith.constant 1 : i32
        %shift_right_arithmetic3A_342 = vector.broadcast %shift_right_arithmetic3A_341 : i32 to vector<16xi32>
        %shift_right_arithmetic3A_343 = arith.shrsi %bitcast_convert_type3A_340, %shift_right_arithmetic3A_342 : vector<16xi32>
        %sub3A_344 = arith.constant 1597463007 : i32
        %sub3A_345 = vector.broadcast %sub3A_344 : i32 to vector<16xi32>
        %sub3A_346 = arith.subi %sub3A_345, %shift_right_arithmetic3A_343 : vector<16xi32>
        %bitcast_convert_type3A_347 = tpu.bitcast %sub3A_346 : vector<16xi32> -> vector<16xf32>
        %mul3A_348 = arith.constant 5.000000e-01 : f32
        %mul3A_349 = vector.broadcast %mul3A_348 : f32 to vector<16xf32>
        %mul3A_350 = arith.mulf %mul3A_349, %add3A_339 : vector<16xf32>
        %mul3A_351 = arith.mulf %mul3A_350, %bitcast_convert_type3A_347 : vector<16xf32>
        %mul3A_352 = arith.mulf %mul3A_351, %bitcast_convert_type3A_347 : vector<16xf32>
        %sub3A_353 = arith.constant 1.500000e+00 : f32
        %sub3A_354 = vector.broadcast %sub3A_353 : f32 to vector<16xf32>
        %sub3A_355 = arith.subf %sub3A_354, %mul3A_352 : vector<16xf32>
        %mul3A_356 = arith.mulf %bitcast_convert_type3A_347, %sub3A_355 : vector<16xf32>
        %mul3A_357 = arith.constant 5.000000e-01 : f32
        %mul3A_358 = vector.broadcast %mul3A_357 : f32 to vector<16xf32>
        %mul3A_359 = arith.mulf %mul3A_358, %add3A_339 : vector<16xf32>
        %mul3A_360 = arith.mulf %mul3A_359, %mul3A_356 : vector<16xf32>
        %mul3A_361 = arith.mulf %mul3A_360, %mul3A_356 : vector<16xf32>
        %sub3A_362 = arith.constant 1.500000e+00 : f32
        %sub3A_363 = vector.broadcast %sub3A_362 : f32 to vector<16xf32>
        %sub3A_364 = arith.subf %sub3A_363, %mul3A_361 : vector<16xf32>
        %mul3A_365 = arith.mulf %mul3A_356, %sub3A_364 : vector<16xf32>
        %sub3A_366 = arith.subf %get3A_271, %mul3A_331 : vector<16xf32>
        %mul3A_367 = arith.mulf %sub3A_366, %mul3A_365 : vector<16xf32>
        %mul3A_368 = arith.mulf %mul3A_367, %get3A_2 : vector<16xf32>
        %add3A_369 = arith.addf %mul3A_368, %get3A_14 : vector<16xf32>
        %swap3A_370 = arith.index_cast %and3A_86 : i32 to index
        %swap3A_371 = arith.index_cast %add3A_266 : i32 to index
        %swap3A_372 = arith.constant 0 : index
        %swap3A_373 = tpu.vector_load %arg8[%swap3A_370, %swap3A_371, %swap3A_372] {strides = array<i32>} : memref<2x512x64xf32, #tpu.memory_space<vmem>>, vector<1x1x16xf32>,
        %swap3A_374 = vector.shape_cast %swap3A_373 : vector<1x1x16xf32> to vector<16xf32>
        %swap3A_375 = vector.shape_cast %add3A_369 : vector<16xf32> to vector<1x1x16xf32>
        tpu.vector_store %arg8[%swap3A_370, %swap3A_371, %swap3A_372], %swap3A_375 {strides = array<i32>} : memref<2x512x64xf32, #tpu.memory_space<vmem>>, vector<1x1x16xf32>,
        %sub3A_376 = arith.subf %get3A_276, %mul3A_331 : vector<16xf32>
        %mul3A_377 = arith.mulf %sub3A_376, %mul3A_365 : vector<16xf32>
        %mul3A_378 = arith.mulf %mul3A_377, %get3A_5 : vector<16xf32>
        %add3A_379 = arith.addf %mul3A_378, %get3A_17 : vector<16xf32>
        %swap3A_380 = arith.index_cast %and3A_86 : i32 to index
        %swap3A_381 = arith.index_cast %add3A_266 : i32 to index
        %swap3A_382 = arith.constant 16 : index
        %swap3A_383 = tpu.vector_load %arg8[%swap3A_380, %swap3A_381, %swap3A_382] {strides = array<i32>} : memref<2x512x64xf32, #tpu.memory_space<vmem>>, vector<1x1x16xf32>,
        %swap3A_384 = vector.shape_cast %swap3A_383 : vector<1x1x16xf32> to vector<16xf32>
        %swap3A_385 = vector.shape_cast %add3A_379 : vector<16xf32> to vector<1x1x16xf32>
        tpu.vector_store %arg8[%swap3A_380, %swap3A_381, %swap3A_382], %swap3A_385 {strides = array<i32>} : memref<2x512x64xf32, #tpu.memory_space<vmem>>, vector<1x1x16xf32>,
        %sub3A_386 = arith.subf %get3A_281, %mul3A_331 : vector<16xf32>
        %mul3A_387 = arith.mulf %sub3A_386, %mul3A_365 : vector<16xf32>
        %mul3A_388 = arith.mulf %mul3A_387, %get3A_8 : vector<16xf32>
        %add3A_389 = arith.addf %mul3A_388, %get3A_20 : vector<16xf32>
        %swap3A_390 = arith.index_cast %and3A_86 : i32 to index
        %swap3A_391 = arith.index_cast %add3A_266 : i32 to index
        %swap3A_392 = arith.constant 32 : index
        %swap3A_393 = tpu.vector_load %arg8[%swap3A_390, %swap3A_391, %swap3A_392] {strides = array<i32>} : memref<2x512x64xf32, #tpu.memory_space<vmem>>, vector<1x1x16xf32>,
        %swap3A_394 = vector.shape_cast %swap3A_393 : vector<1x1x16xf32> to vector<16xf32>
        %swap3A_395 = vector.shape_cast %add3A_389 : vector<16xf32> to vector<1x1x16xf32>
        tpu.vector_store %arg8[%swap3A_390, %swap3A_391, %swap3A_392], %swap3A_395 {strides = array<i32>} : memref<2x512x64xf32, #tpu.memory_space<vmem>>, vector<1x1x16xf32>,
        %sub3A_396 = arith.subf %get3A_286, %mul3A_331 : vector<16xf32>
        %mul3A_397 = arith.mulf %sub3A_396, %mul3A_365 : vector<16xf32>
        %mul3A_398 = arith.mulf %mul3A_397, %get3A_11 : vector<16xf32>
        %add3A_399 = arith.addf %mul3A_398, %get3A_23 : vector<16xf32>
        %swap3A_400 = arith.index_cast %and3A_86 : i32 to index
        %swap3A_401 = arith.index_cast %add3A_266 : i32 to index
        %swap3A_402 = arith.constant 48 : index
        %swap3A_403 = tpu.vector_load %arg8[%swap3A_400, %swap3A_401, %swap3A_402] {strides = array<i32>} : memref<2x512x64xf32, #tpu.memory_space<vmem>>, vector<1x1x16xf32>,
        %swap3A_404 = vector.shape_cast %swap3A_403 : vector<1x1x16xf32> to vector<16xf32>
        %swap3A_405 = vector.shape_cast %add3A_399 : vector<16xf32> to vector<1x1x16xf32>
        tpu.vector_store %arg8[%swap3A_400, %swap3A_401, %swap3A_402], %swap3A_405 {strides = array<i32>} : memref<2x512x64xf32, #tpu.memory_space<vmem>>, vector<1x1x16xf32>,
        %add3A_406 = arith.constant 2 : i32
        %add3A_407 = arith.addi %mul3A_128, %add3A_406 : i32
        %get3A_408 = arith.index_cast %and3A_86 : i32 to index
        %get3A_409 = arith.index_cast %add3A_407 : i32 to index
        %get3A_410 = arith.constant 0 : index
        %get3A_411 = tpu.vector_load %arg8[%get3A_408, %get3A_409, %get3A_410] {strides = array<i32>} : memref<2x512x64xf32, #tpu.memory_space<vmem>>, vector<1x1x16xf32>,
        %get3A_412 = vector.shape_cast %get3A_411 : vector<1x1x16xf32> to vector<16xf32>
        %get3A_413 = arith.index_cast %and3A_86 : i32 to index
        %get3A_414 = arith.index_cast %add3A_407 : i32 to index
        %get3A_415 = arith.constant 16 : index
        %get3A_416 = tpu.vector_load %arg8[%get3A_413, %get3A_414, %get3A_415] {strides = array<i32>} : memref<2x512x64xf32, #tpu.memory_space<vmem>>, vector<1x1x16xf32>,
        %get3A_417 = vector.shape_cast %get3A_416 : vector<1x1x16xf32> to vector<16xf32>
        %get3A_418 = arith.index_cast %and3A_86 : i32 to index
        %get3A_419 = arith.index_cast %add3A_407 : i32 to index
        %get3A_420 = arith.constant 32 : index
        %get3A_421 = tpu.vector_load %arg8[%get3A_418, %get3A_419, %get3A_420] {strides = array<i32>} : memref<2x512x64xf32, #tpu.memory_space<vmem>>, vector<1x1x16xf32>,
        %get3A_422 = vector.shape_cast %get3A_421 : vector<1x1x16xf32> to vector<16xf32>
        %get3A_423 = arith.index_cast %and3A_86 : i32 to index
        %get3A_424 = arith.index_cast %add3A_407 : i32 to index
        %get3A_425 = arith.constant 48 : index
        %get3A_426 = tpu.vector_load %arg8[%get3A_423, %get3A_424, %get3A_425] {strides = array<i32>} : memref<2x512x64xf32, #tpu.memory_space<vmem>>, vector<1x1x16xf32>,
        %get3A_427 = vector.shape_cast %get3A_426 : vector<1x1x16xf32> to vector<16xf32>
        %add3A_428 = arith.addf %get3A_412, %get3A_417 : vector<16xf32>
        %add3A_429 = arith.addf %get3A_422, %get3A_427 : vector<16xf32>
        %add3A_430 = arith.addf %add3A_428, %add3A_429 : vector<16xf32>
        %mul3A_431 = arith.mulf %get3A_412, %get3A_412 : vector<16xf32>
        %mul3A_432 = arith.mulf %get3A_417, %get3A_417 : vector<16xf32>
        %add3A_433 = arith.addf %mul3A_431, %mul3A_432 : vector<16xf32>
        %mul3A_434 = arith.mulf %get3A_422, %get3A_422 : vector<16xf32>
        %mul3A_435 = arith.mulf %get3A_427, %get3A_427 : vector<16xf32>
        %add3A_436 = arith.addf %mul3A_434, %mul3A_435 : vector<16xf32>
        %add3A_437 = arith.addf %add3A_433, %add3A_436 : vector<16xf32>
        %broadcast_in_dim3A_438 = vector.shape_cast %xor3A_27 : vector<16xi32> to vector<16x1xi32>
        %gather3A_439 = vector.shape_cast %broadcast_in_dim3A_438 : vector<16x1xi32> to vector<16xi32>
        %gather3A_440 = tpu.dynamic_gather %add3A_430[%gather3A_439] in [0] : vector<16xf32>, vector<16xi32> -> vector<16xf32>
        %add3A_441 = arith.addf %add3A_430, %gather3A_440 : vector<16xf32>
        %broadcast_in_dim3A_442 = vector.shape_cast %xor3A_27 : vector<16xi32> to vector<16x1xi32>
        %gather3A_443 = vector.shape_cast %broadcast_in_dim3A_442 : vector<16x1xi32> to vector<16xi32>
        %gather3A_444 = tpu.dynamic_gather %add3A_437[%gather3A_443] in [0] : vector<16xf32>, vector<16xi32> -> vector<16xf32>
        %add3A_445 = arith.addf %add3A_437, %gather3A_444 : vector<16xf32>
        %broadcast_in_dim3A_446 = vector.shape_cast %xor3A_30 : vector<16xi32> to vector<16x1xi32>
        %gather3A_447 = vector.shape_cast %broadcast_in_dim3A_446 : vector<16x1xi32> to vector<16xi32>
        %gather3A_448 = tpu.dynamic_gather %add3A_441[%gather3A_447] in [0] : vector<16xf32>, vector<16xi32> -> vector<16xf32>
        %add3A_449 = arith.addf %add3A_441, %gather3A_448 : vector<16xf32>
        %broadcast_in_dim3A_450 = vector.shape_cast %xor3A_30 : vector<16xi32> to vector<16x1xi32>
        %gather3A_451 = vector.shape_cast %broadcast_in_dim3A_450 : vector<16x1xi32> to vector<16xi32>
        %gather3A_452 = tpu.dynamic_gather %add3A_445[%gather3A_451] in [0] : vector<16xf32>, vector<16xi32> -> vector<16xf32>
        %add3A_453 = arith.addf %add3A_445, %gather3A_452 : vector<16xf32>
        %broadcast_in_dim3A_454 = vector.shape_cast %xor3A_33 : vector<16xi32> to vector<16x1xi32>
        %gather3A_455 = vector.shape_cast %broadcast_in_dim3A_454 : vector<16x1xi32> to vector<16xi32>
        %gather3A_456 = tpu.dynamic_gather %add3A_449[%gather3A_455] in [0] : vector<16xf32>, vector<16xi32> -> vector<16xf32>
        %add3A_457 = arith.addf %add3A_449, %gather3A_456 : vector<16xf32>
        %broadcast_in_dim3A_458 = vector.shape_cast %xor3A_33 : vector<16xi32> to vector<16x1xi32>
        %gather3A_459 = vector.shape_cast %broadcast_in_dim3A_458 : vector<16x1xi32> to vector<16xi32>
        %gather3A_460 = tpu.dynamic_gather %add3A_453[%gather3A_459] in [0] : vector<16xf32>, vector<16xi32> -> vector<16xf32>
        %add3A_461 = arith.addf %add3A_453, %gather3A_460 : vector<16xf32>
        %broadcast_in_dim3A_462 = vector.shape_cast %xor3A_36 : vector<16xi32> to vector<16x1xi32>
        %gather3A_463 = vector.shape_cast %broadcast_in_dim3A_462 : vector<16x1xi32> to vector<16xi32>
        %gather3A_464 = tpu.dynamic_gather %add3A_457[%gather3A_463] in [0] : vector<16xf32>, vector<16xi32> -> vector<16xf32>
        %add3A_465 = arith.addf %add3A_457, %gather3A_464 : vector<16xf32>
        %broadcast_in_dim3A_466 = vector.shape_cast %xor3A_36 : vector<16xi32> to vector<16x1xi32>
        %gather3A_467 = vector.shape_cast %broadcast_in_dim3A_466 : vector<16x1xi32> to vector<16xi32>
        %gather3A_468 = tpu.dynamic_gather %add3A_461[%gather3A_467] in [0] : vector<16xf32>, vector<16xi32> -> vector<16xf32>
        %add3A_469 = arith.addf %add3A_461, %gather3A_468 : vector<16xf32>
        %mul3A_470 = arith.constant 1.562500e-02 : f32
        %mul3A_471 = vector.broadcast %mul3A_470 : f32 to vector<16xf32>
        %mul3A_472 = arith.mulf %add3A_465, %mul3A_471 : vector<16xf32>
        %mul3A_473 = arith.constant 1.562500e-02 : f32
        %mul3A_474 = vector.broadcast %mul3A_473 : f32 to vector<16xf32>
        %mul3A_475 = arith.mulf %add3A_469, %mul3A_474 : vector<16xf32>
        %mul3A_476 = arith.mulf %mul3A_472, %mul3A_472 : vector<16xf32>
        %sub3A_477 = arith.subf %mul3A_475, %mul3A_476 : vector<16xf32>
        %add3A_478 = arith.constant 9.99999974E-6 : f32
        %add3A_479 = vector.broadcast %add3A_478 : f32 to vector<16xf32>
        %add3A_480 = arith.addf %sub3A_477, %add3A_479 : vector<16xf32>
        %bitcast_convert_type3A_481 = tpu.bitcast %add3A_480 : vector<16xf32> -> vector<16xi32>
        %shift_right_arithmetic3A_482 = arith.constant 1 : i32
        %shift_right_arithmetic3A_483 = vector.broadcast %shift_right_arithmetic3A_482 : i32 to vector<16xi32>
        %shift_right_arithmetic3A_484 = arith.shrsi %bitcast_convert_type3A_481, %shift_right_arithmetic3A_483 : vector<16xi32>
        %sub3A_485 = arith.constant 1597463007 : i32
        %sub3A_486 = vector.broadcast %sub3A_485 : i32 to vector<16xi32>
        %sub3A_487 = arith.subi %sub3A_486, %shift_right_arithmetic3A_484 : vector<16xi32>
        %bitcast_convert_type3A_488 = tpu.bitcast %sub3A_487 : vector<16xi32> -> vector<16xf32>
        %mul3A_489 = arith.constant 5.000000e-01 : f32
        %mul3A_490 = vector.broadcast %mul3A_489 : f32 to vector<16xf32>
        %mul3A_491 = arith.mulf %mul3A_490, %add3A_480 : vector<16xf32>
        %mul3A_492 = arith.mulf %mul3A_491, %bitcast_convert_type3A_488 : vector<16xf32>
        %mul3A_493 = arith.mulf %mul3A_492, %bitcast_convert_type3A_488 : vector<16xf32>
        %sub3A_494 = arith.constant 1.500000e+00 : f32
        %sub3A_495 = vector.broadcast %sub3A_494 : f32 to vector<16xf32>
        %sub3A_496 = arith.subf %sub3A_495, %mul3A_493 : vector<16xf32>
        %mul3A_497 = arith.mulf %bitcast_convert_type3A_488, %sub3A_496 : vector<16xf32>
        %mul3A_498 = arith.constant 5.000000e-01 : f32
        %mul3A_499 = vector.broadcast %mul3A_498 : f32 to vector<16xf32>
        %mul3A_500 = arith.mulf %mul3A_499, %add3A_480 : vector<16xf32>
        %mul3A_501 = arith.mulf %mul3A_500, %mul3A_497 : vector<16xf32>
        %mul3A_502 = arith.mulf %mul3A_501, %mul3A_497 : vector<16xf32>
        %sub3A_503 = arith.constant 1.500000e+00 : f32
        %sub3A_504 = vector.broadcast %sub3A_503 : f32 to vector<16xf32>
        %sub3A_505 = arith.subf %sub3A_504, %mul3A_502 : vector<16xf32>
        %mul3A_506 = arith.mulf %mul3A_497, %sub3A_505 : vector<16xf32>
        %sub3A_507 = arith.subf %get3A_412, %mul3A_472 : vector<16xf32>
        %mul3A_508 = arith.mulf %sub3A_507, %mul3A_506 : vector<16xf32>
        %mul3A_509 = arith.mulf %mul3A_508, %get3A_2 : vector<16xf32>
        %add3A_510 = arith.addf %mul3A_509, %get3A_14 : vector<16xf32>
        %swap3A_511 = arith.index_cast %and3A_86 : i32 to index
        %swap3A_512 = arith.index_cast %add3A_407 : i32 to index
        %swap3A_513 = arith.constant 0 : index
        %swap3A_514 = tpu.vector_load %arg8[%swap3A_511, %swap3A_512, %swap3A_513] {strides = array<i32>} : memref<2x512x64xf32, #tpu.memory_space<vmem>>, vector<1x1x16xf32>,
        %swap3A_515 = vector.shape_cast %swap3A_514 : vector<1x1x16xf32> to vector<16xf32>
        %swap3A_516 = vector.shape_cast %add3A_510 : vector<16xf32> to vector<1x1x16xf32>
        tpu.vector_store %arg8[%swap3A_511, %swap3A_512, %swap3A_513], %swap3A_516 {strides = array<i32>} : memref<2x512x64xf32, #tpu.memory_space<vmem>>, vector<1x1x16xf32>,
        %sub3A_517 = arith.subf %get3A_417, %mul3A_472 : vector<16xf32>
        %mul3A_518 = arith.mulf %sub3A_517, %mul3A_506 : vector<16xf32>
        %mul3A_519 = arith.mulf %mul3A_518, %get3A_5 : vector<16xf32>
        %add3A_520 = arith.addf %mul3A_519, %get3A_17 : vector<16xf32>
        %swap3A_521 = arith.index_cast %and3A_86 : i32 to index
        %swap3A_522 = arith.index_cast %add3A_407 : i32 to index
        %swap3A_523 = arith.constant 16 : index
        %swap3A_524 = tpu.vector_load %arg8[%swap3A_521, %swap3A_522, %swap3A_523] {strides = array<i32>} : memref<2x512x64xf32, #tpu.memory_space<vmem>>, vector<1x1x16xf32>,
        %swap3A_525 = vector.shape_cast %swap3A_524 : vector<1x1x16xf32> to vector<16xf32>
        %swap3A_526 = vector.shape_cast %add3A_520 : vector<16xf32> to vector<1x1x16xf32>
        tpu.vector_store %arg8[%swap3A_521, %swap3A_522, %swap3A_523], %swap3A_526 {strides = array<i32>} : memref<2x512x64xf32, #tpu.memory_space<vmem>>, vector<1x1x16xf32>,
        %sub3A_527 = arith.subf %get3A_422, %mul3A_472 : vector<16xf32>
        %mul3A_528 = arith.mulf %sub3A_527, %mul3A_506 : vector<16xf32>
        %mul3A_529 = arith.mulf %mul3A_528, %get3A_8 : vector<16xf32>
        %add3A_530 = arith.addf %mul3A_529, %get3A_20 : vector<16xf32>
        %swap3A_531 = arith.index_cast %and3A_86 : i32 to index
        %swap3A_532 = arith.index_cast %add3A_407 : i32 to index
        %swap3A_533 = arith.constant 32 : index
        %swap3A_534 = tpu.vector_load %arg8[%swap3A_531, %swap3A_532, %swap3A_533] {strides = array<i32>} : memref<2x512x64xf32, #tpu.memory_space<vmem>>, vector<1x1x16xf32>,
        %swap3A_535 = vector.shape_cast %swap3A_534 : vector<1x1x16xf32> to vector<16xf32>
        %swap3A_536 = vector.shape_cast %add3A_530 : vector<16xf32> to vector<1x1x16xf32>
        tpu.vector_store %arg8[%swap3A_531, %swap3A_532, %swap3A_533], %swap3A_536 {strides = array<i32>} : memref<2x512x64xf32, #tpu.memory_space<vmem>>, vector<1x1x16xf32>,
        %sub3A_537 = arith.subf %get3A_427, %mul3A_472 : vector<16xf32>
        %mul3A_538 = arith.mulf %sub3A_537, %mul3A_506 : vector<16xf32>
        %mul3A_539 = arith.mulf %mul3A_538, %get3A_11 : vector<16xf32>
        %add3A_540 = arith.addf %mul3A_539, %get3A_23 : vector<16xf32>
        %swap3A_541 = arith.index_cast %and3A_86 : i32 to index
        %swap3A_542 = arith.index_cast %add3A_407 : i32 to index
        %swap3A_543 = arith.constant 48 : index
        %swap3A_544 = tpu.vector_load %arg8[%swap3A_541, %swap3A_542, %swap3A_543] {strides = array<i32>} : memref<2x512x64xf32, #tpu.memory_space<vmem>>, vector<1x1x16xf32>,
        %swap3A_545 = vector.shape_cast %swap3A_544 : vector<1x1x16xf32> to vector<16xf32>
        %swap3A_546 = vector.shape_cast %add3A_540 : vector<16xf32> to vector<1x1x16xf32>
        tpu.vector_store %arg8[%swap3A_541, %swap3A_542, %swap3A_543], %swap3A_546 {strides = array<i32>} : memref<2x512x64xf32, #tpu.memory_space<vmem>>, vector<1x1x16xf32>,
        %add3A_547 = arith.constant 3 : i32
        %add3A_548 = arith.addi %mul3A_128, %add3A_547 : i32
        %get3A_549 = arith.index_cast %and3A_86 : i32 to index
        %get3A_550 = arith.index_cast %add3A_548 : i32 to index
        %get3A_551 = arith.constant 0 : index
        %get3A_552 = tpu.vector_load %arg8[%get3A_549, %get3A_550, %get3A_551] {strides = array<i32>} : memref<2x512x64xf32, #tpu.memory_space<vmem>>, vector<1x1x16xf32>,
        %get3A_553 = vector.shape_cast %get3A_552 : vector<1x1x16xf32> to vector<16xf32>
        %get3A_554 = arith.index_cast %and3A_86 : i32 to index
        %get3A_555 = arith.index_cast %add3A_548 : i32 to index
        %get3A_556 = arith.constant 16 : index
        %get3A_557 = tpu.vector_load %arg8[%get3A_554, %get3A_555, %get3A_556] {strides = array<i32>} : memref<2x512x64xf32, #tpu.memory_space<vmem>>, vector<1x1x16xf32>,
        %get3A_558 = vector.shape_cast %get3A_557 : vector<1x1x16xf32> to vector<16xf32>
        %get3A_559 = arith.index_cast %and3A_86 : i32 to index
        %get3A_560 = arith.index_cast %add3A_548 : i32 to index
        %get3A_561 = arith.constant 32 : index
        %get3A_562 = tpu.vector_load %arg8[%get3A_559, %get3A_560, %get3A_561] {strides = array<i32>} : memref<2x512x64xf32, #tpu.memory_space<vmem>>, vector<1x1x16xf32>,
        %get3A_563 = vector.shape_cast %get3A_562 : vector<1x1x16xf32> to vector<16xf32>
        %get3A_564 = arith.index_cast %and3A_86 : i32 to index
        %get3A_565 = arith.index_cast %add3A_548 : i32 to index
        %get3A_566 = arith.constant 48 : index
        %get3A_567 = tpu.vector_load %arg8[%get3A_564, %get3A_565, %get3A_566] {strides = array<i32>} : memref<2x512x64xf32, #tpu.memory_space<vmem>>, vector<1x1x16xf32>,
        %get3A_568 = vector.shape_cast %get3A_567 : vector<1x1x16xf32> to vector<16xf32>
        %add3A_569 = arith.addf %get3A_553, %get3A_558 : vector<16xf32>
        %add3A_570 = arith.addf %get3A_563, %get3A_568 : vector<16xf32>
        %add3A_571 = arith.addf %add3A_569, %add3A_570 : vector<16xf32>
        %mul3A_572 = arith.mulf %get3A_553, %get3A_553 : vector<16xf32>
        %mul3A_573 = arith.mulf %get3A_558, %get3A_558 : vector<16xf32>
        %add3A_574 = arith.addf %mul3A_572, %mul3A_573 : vector<16xf32>
        %mul3A_575 = arith.mulf %get3A_563, %get3A_563 : vector<16xf32>
        %mul3A_576 = arith.mulf %get3A_568, %get3A_568 : vector<16xf32>
        %add3A_577 = arith.addf %mul3A_575, %mul3A_576 : vector<16xf32>
        %add3A_578 = arith.addf %add3A_574, %add3A_577 : vector<16xf32>
        %broadcast_in_dim3A_579 = vector.shape_cast %xor3A_27 : vector<16xi32> to vector<16x1xi32>
        %gather3A_580 = vector.shape_cast %broadcast_in_dim3A_579 : vector<16x1xi32> to vector<16xi32>
        %gather3A_581 = tpu.dynamic_gather %add3A_571[%gather3A_580] in [0] : vector<16xf32>, vector<16xi32> -> vector<16xf32>
        %add3A_582 = arith.addf %add3A_571, %gather3A_581 : vector<16xf32>
        %broadcast_in_dim3A_583 = vector.shape_cast %xor3A_27 : vector<16xi32> to vector<16x1xi32>
        %gather3A_584 = vector.shape_cast %broadcast_in_dim3A_583 : vector<16x1xi32> to vector<16xi32>
        %gather3A_585 = tpu.dynamic_gather %add3A_578[%gather3A_584] in [0] : vector<16xf32>, vector<16xi32> -> vector<16xf32>
        %add3A_586 = arith.addf %add3A_578, %gather3A_585 : vector<16xf32>
        %broadcast_in_dim3A_587 = vector.shape_cast %xor3A_30 : vector<16xi32> to vector<16x1xi32>
        %gather3A_588 = vector.shape_cast %broadcast_in_dim3A_587 : vector<16x1xi32> to vector<16xi32>
        %gather3A_589 = tpu.dynamic_gather %add3A_582[%gather3A_588] in [0] : vector<16xf32>, vector<16xi32> -> vector<16xf32>
        %add3A_590 = arith.addf %add3A_582, %gather3A_589 : vector<16xf32>
        %broadcast_in_dim3A_591 = vector.shape_cast %xor3A_30 : vector<16xi32> to vector<16x1xi32>
        %gather3A_592 = vector.shape_cast %broadcast_in_dim3A_591 : vector<16x1xi32> to vector<16xi32>
        %gather3A_593 = tpu.dynamic_gather %add3A_586[%gather3A_592] in [0] : vector<16xf32>, vector<16xi32> -> vector<16xf32>
        %add3A_594 = arith.addf %add3A_586, %gather3A_593 : vector<16xf32>
        %broadcast_in_dim3A_595 = vector.shape_cast %xor3A_33 : vector<16xi32> to vector<16x1xi32>
        %gather3A_596 = vector.shape_cast %broadcast_in_dim3A_595 : vector<16x1xi32> to vector<16xi32>
        %gather3A_597 = tpu.dynamic_gather %add3A_590[%gather3A_596] in [0] : vector<16xf32>, vector<16xi32> -> vector<16xf32>
        %add3A_598 = arith.addf %add3A_590, %gather3A_597 : vector<16xf32>
        %broadcast_in_dim3A_599 = vector.shape_cast %xor3A_33 : vector<16xi32> to vector<16x1xi32>
        %gather3A_600 = vector.shape_cast %broadcast_in_dim3A_599 : vector<16x1xi32> to vector<16xi32>
        %gather3A_601 = tpu.dynamic_gather %add3A_594[%gather3A_600] in [0] : vector<16xf32>, vector<16xi32> -> vector<16xf32>
        %add3A_602 = arith.addf %add3A_594, %gather3A_601 : vector<16xf32>
        %broadcast_in_dim3A_603 = vector.shape_cast %xor3A_36 : vector<16xi32> to vector<16x1xi32>
        %gather3A_604 = vector.shape_cast %broadcast_in_dim3A_603 : vector<16x1xi32> to vector<16xi32>
        %gather3A_605 = tpu.dynamic_gather %add3A_598[%gather3A_604] in [0] : vector<16xf32>, vector<16xi32> -> vector<16xf32>
        %add3A_606 = arith.addf %add3A_598, %gather3A_605 : vector<16xf32>
        %broadcast_in_dim3A_607 = vector.shape_cast %xor3A_36 : vector<16xi32> to vector<16x1xi32>
        %gather3A_608 = vector.shape_cast %broadcast_in_dim3A_607 : vector<16x1xi32> to vector<16xi32>
        %gather3A_609 = tpu.dynamic_gather %add3A_602[%gather3A_608] in [0] : vector<16xf32>, vector<16xi32> -> vector<16xf32>
        %add3A_610 = arith.addf %add3A_602, %gather3A_609 : vector<16xf32>
        %mul3A_611 = arith.constant 1.562500e-02 : f32
        %mul3A_612 = vector.broadcast %mul3A_611 : f32 to vector<16xf32>
        %mul3A_613 = arith.mulf %add3A_606, %mul3A_612 : vector<16xf32>
        %mul3A_614 = arith.constant 1.562500e-02 : f32
        %mul3A_615 = vector.broadcast %mul3A_614 : f32 to vector<16xf32>
        %mul3A_616 = arith.mulf %add3A_610, %mul3A_615 : vector<16xf32>
        %mul3A_617 = arith.mulf %mul3A_613, %mul3A_613 : vector<16xf32>
        %sub3A_618 = arith.subf %mul3A_616, %mul3A_617 : vector<16xf32>
        %add3A_619 = arith.constant 9.99999974E-6 : f32
        %add3A_620 = vector.broadcast %add3A_619 : f32 to vector<16xf32>
        %add3A_621 = arith.addf %sub3A_618, %add3A_620 : vector<16xf32>
        %bitcast_convert_type3A_622 = tpu.bitcast %add3A_621 : vector<16xf32> -> vector<16xi32>
        %shift_right_arithmetic3A_623 = arith.constant 1 : i32
        %shift_right_arithmetic3A_624 = vector.broadcast %shift_right_arithmetic3A_623 : i32 to vector<16xi32>
        %shift_right_arithmetic3A_625 = arith.shrsi %bitcast_convert_type3A_622, %shift_right_arithmetic3A_624 : vector<16xi32>
        %sub3A_626 = arith.constant 1597463007 : i32
        %sub3A_627 = vector.broadcast %sub3A_626 : i32 to vector<16xi32>
        %sub3A_628 = arith.subi %sub3A_627, %shift_right_arithmetic3A_625 : vector<16xi32>
        %bitcast_convert_type3A_629 = tpu.bitcast %sub3A_628 : vector<16xi32> -> vector<16xf32>
        %mul3A_630 = arith.constant 5.000000e-01 : f32
        %mul3A_631 = vector.broadcast %mul3A_630 : f32 to vector<16xf32>
        %mul3A_632 = arith.mulf %mul3A_631, %add3A_621 : vector<16xf32>
        %mul3A_633 = arith.mulf %mul3A_632, %bitcast_convert_type3A_629 : vector<16xf32>
        %mul3A_634 = arith.mulf %mul3A_633, %bitcast_convert_type3A_629 : vector<16xf32>
        %sub3A_635 = arith.constant 1.500000e+00 : f32
        %sub3A_636 = vector.broadcast %sub3A_635 : f32 to vector<16xf32>
        %sub3A_637 = arith.subf %sub3A_636, %mul3A_634 : vector<16xf32>
        %mul3A_638 = arith.mulf %bitcast_convert_type3A_629, %sub3A_637 : vector<16xf32>
        %mul3A_639 = arith.constant 5.000000e-01 : f32
        %mul3A_640 = vector.broadcast %mul3A_639 : f32 to vector<16xf32>
        %mul3A_641 = arith.mulf %mul3A_640, %add3A_621 : vector<16xf32>
        %mul3A_642 = arith.mulf %mul3A_641, %mul3A_638 : vector<16xf32>
        %mul3A_643 = arith.mulf %mul3A_642, %mul3A_638 : vector<16xf32>
        %sub3A_644 = arith.constant 1.500000e+00 : f32
        %sub3A_645 = vector.broadcast %sub3A_644 : f32 to vector<16xf32>
        %sub3A_646 = arith.subf %sub3A_645, %mul3A_643 : vector<16xf32>
        %mul3A_647 = arith.mulf %mul3A_638, %sub3A_646 : vector<16xf32>
        %sub3A_648 = arith.subf %get3A_553, %mul3A_613 : vector<16xf32>
        %mul3A_649 = arith.mulf %sub3A_648, %mul3A_647 : vector<16xf32>
        %mul3A_650 = arith.mulf %mul3A_649, %get3A_2 : vector<16xf32>
        %add3A_651 = arith.addf %mul3A_650, %get3A_14 : vector<16xf32>
        %swap3A_652 = arith.index_cast %and3A_86 : i32 to index
        %swap3A_653 = arith.index_cast %add3A_548 : i32 to index
        %swap3A_654 = arith.constant 0 : index
        %swap3A_655 = tpu.vector_load %arg8[%swap3A_652, %swap3A_653, %swap3A_654] {strides = array<i32>} : memref<2x512x64xf32, #tpu.memory_space<vmem>>, vector<1x1x16xf32>,
        %swap3A_656 = vector.shape_cast %swap3A_655 : vector<1x1x16xf32> to vector<16xf32>
        %swap3A_657 = vector.shape_cast %add3A_651 : vector<16xf32> to vector<1x1x16xf32>
        tpu.vector_store %arg8[%swap3A_652, %swap3A_653, %swap3A_654], %swap3A_657 {strides = array<i32>} : memref<2x512x64xf32, #tpu.memory_space<vmem>>, vector<1x1x16xf32>,
        %sub3A_658 = arith.subf %get3A_558, %mul3A_613 : vector<16xf32>
        %mul3A_659 = arith.mulf %sub3A_658, %mul3A_647 : vector<16xf32>
        %mul3A_660 = arith.mulf %mul3A_659, %get3A_5 : vector<16xf32>
        %add3A_661 = arith.addf %mul3A_660, %get3A_17 : vector<16xf32>
        %swap3A_662 = arith.index_cast %and3A_86 : i32 to index
        %swap3A_663 = arith.index_cast %add3A_548 : i32 to index
        %swap3A_664 = arith.constant 16 : index
        %swap3A_665 = tpu.vector_load %arg8[%swap3A_662, %swap3A_663, %swap3A_664] {strides = array<i32>} : memref<2x512x64xf32, #tpu.memory_space<vmem>>, vector<1x1x16xf32>,
        %swap3A_666 = vector.shape_cast %swap3A_665 : vector<1x1x16xf32> to vector<16xf32>
        %swap3A_667 = vector.shape_cast %add3A_661 : vector<16xf32> to vector<1x1x16xf32>
        tpu.vector_store %arg8[%swap3A_662, %swap3A_663, %swap3A_664], %swap3A_667 {strides = array<i32>} : memref<2x512x64xf32, #tpu.memory_space<vmem>>, vector<1x1x16xf32>,
        %sub3A_668 = arith.subf %get3A_563, %mul3A_613 : vector<16xf32>
        %mul3A_669 = arith.mulf %sub3A_668, %mul3A_647 : vector<16xf32>
        %mul3A_670 = arith.mulf %mul3A_669, %get3A_8 : vector<16xf32>
        %add3A_671 = arith.addf %mul3A_670, %get3A_20 : vector<16xf32>
        %swap3A_672 = arith.index_cast %and3A_86 : i32 to index
        %swap3A_673 = arith.index_cast %add3A_548 : i32 to index
        %swap3A_674 = arith.constant 32 : index
        %swap3A_675 = tpu.vector_load %arg8[%swap3A_672, %swap3A_673, %swap3A_674] {strides = array<i32>} : memref<2x512x64xf32, #tpu.memory_space<vmem>>, vector<1x1x16xf32>,
        %swap3A_676 = vector.shape_cast %swap3A_675 : vector<1x1x16xf32> to vector<16xf32>
        %swap3A_677 = vector.shape_cast %add3A_671 : vector<16xf32> to vector<1x1x16xf32>
        tpu.vector_store %arg8[%swap3A_672, %swap3A_673, %swap3A_674], %swap3A_677 {strides = array<i32>} : memref<2x512x64xf32, #tpu.memory_space<vmem>>, vector<1x1x16xf32>,
        %sub3A_678 = arith.subf %get3A_568, %mul3A_613 : vector<16xf32>
        %mul3A_679 = arith.mulf %sub3A_678, %mul3A_647 : vector<16xf32>
        %mul3A_680 = arith.mulf %mul3A_679, %get3A_11 : vector<16xf32>
        %add3A_681 = arith.addf %mul3A_680, %get3A_23 : vector<16xf32>
        %swap3A_682 = arith.index_cast %and3A_86 : i32 to index
        %swap3A_683 = arith.index_cast %add3A_548 : i32 to index
        %swap3A_684 = arith.constant 48 : index
        %swap3A_685 = tpu.vector_load %arg8[%swap3A_682, %swap3A_683, %swap3A_684] {strides = array<i32>} : memref<2x512x64xf32, #tpu.memory_space<vmem>>, vector<1x1x16xf32>,
        %swap3A_686 = vector.shape_cast %swap3A_685 : vector<1x1x16xf32> to vector<16xf32>
        %swap3A_687 = vector.shape_cast %add3A_681 : vector<16xf32> to vector<1x1x16xf32>
        tpu.vector_store %arg8[%swap3A_682, %swap3A_683, %swap3A_684], %swap3A_687 {strides = array<i32>} : memref<2x512x64xf32, #tpu.memory_space<vmem>>, vector<1x1x16xf32>,
      }
      %scan3A_108 = arith.constant 128 : i32
      %mul3A_109 = arith.constant 512 : i32
      %mul3A_110 = arith.muli %scan3A_85, %mul3A_109 : i32
      %add3A_111 = arith.addi %mul3A_25, %mul3A_110 : i32
      %dma_start3A_112 = arith.constant 0 : i32
      %dma_start3A_113 = arith.constant 0 : i32
      %dma_start3A_114 = tpu.memref_slice %arg8[%and3A_86, %dma_start3A_112, %dma_start3A_113] : memref<2x512x64xf32, #tpu.memory_space<vmem>> -> memref<1x512x64xf32, #tpu.memory_space<vmem>>
      %dma_start3A_115 = tpu.memref_squeeze %dma_start3A_114 : memref<1x512x64xf32, #tpu.memory_space<vmem>> -> memref<512x64xf32, #tpu.memory_space<vmem>>
      %dma_start3A_116 = arith.constant 0 : i32
      %dma_start3A_117 = tpu.memref_slice %arg6[%add3A_111, %dma_start3A_116] : memref<819200x64xf32, #tpu.memory_space<hbm>> -> memref<512x64xf32, #tpu.memory_space<hbm>>
      %dma_start3A_118 = tpu.memref_slice %arg12[%and3A_86] : memref<2x!tpu.dma_semaphore, #tpu.memory_space<semaphore_mem>> -> memref<1x!tpu.dma_semaphore, #tpu.memory_space<semaphore_mem>>
      %dma_start3A_119 = tpu.memref_squeeze %dma_start3A_118 : memref<1x!tpu.dma_semaphore, #tpu.memory_space<semaphore_mem>> -> memref<!tpu.dma_semaphore, #tpu.memory_space<semaphore_mem>>
      %dma_start3A_120 = arith.constant 0 : i32
      %dma_start3A_121 = tpu.memref_slice %arg6[%add3A_111, %dma_start3A_120] : memref<819200x64xf32, #tpu.memory_space<hbm>> -> memref<512x64xf32, #tpu.memory_space<hbm>>
      %dma_start3A_122 = arith.constant 0 : i32
      %dma_start3A_123 = arith.constant 0 : i32
      %dma_start3A_124 = tpu.memref_slice %arg8[%and3A_86, %dma_start3A_122, %dma_start3A_123] : memref<2x512x64xf32, #tpu.memory_space<vmem>> -> memref<1x512x64xf32, #tpu.memory_space<vmem>>
      %dma_start3A_125 = tpu.memref_squeeze %dma_start3A_124 : memref<1x512x64xf32, #tpu.memory_space<vmem>> -> memref<512x64xf32, #tpu.memory_space<vmem>>
      tpu.enqueue_dma source(%dma_start3A_125 : memref<512x64xf32, #tpu.memory_space<vmem>>) target(%dma_start3A_121 : memref<512x64xf32, #tpu.memory_space<hbm>>) target_semaphore(%dma_start3A_119 : memref<!tpu.dma_semaphore, #tpu.memory_space<semaphore_mem>>)
    }
    %scan3A_53 = arith.constant 50 : i32
    %dma_wait3A = arith.constant 0 : i32
    %dma_wait3A_54 = arith.constant 0 : i32
    %dma_wait3A_55 = arith.constant 0 : i32
    %dma_wait3A_56 = arith.constant 0 : i32
    %dma_wait3A_57 = tpu.memref_slice %arg8[%dma_wait3A, %dma_wait3A_55, %dma_wait3A_56] : memref<2x512x64xf32, #tpu.memory_space<vmem>> -> memref<1x512x64xf32, #tpu.memory_space<vmem>>
    %dma_wait3A_58 = tpu.memref_squeeze %dma_wait3A_57 : memref<1x512x64xf32, #tpu.memory_space<vmem>> -> memref<512x64xf32, #tpu.memory_space<vmem>>
    %dma_wait3A_59 = arith.constant 0 : i32
    %dma_wait3A_60 = tpu.memref_slice %arg6[%mul3A_25, %dma_wait3A_59] : memref<819200x64xf32, #tpu.memory_space<hbm>> -> memref<512x64xf32, #tpu.memory_space<hbm>>
    %dma_wait3A_61 = tpu.memref_slice %arg12[%dma_wait3A_54] : memref<2x!tpu.dma_semaphore, #tpu.memory_space<semaphore_mem>> -> memref<1x!tpu.dma_semaphore, #tpu.memory_space<semaphore_mem>>
    %dma_wait3A_62 = tpu.memref_squeeze %dma_wait3A_61 : memref<1x!tpu.dma_semaphore, #tpu.memory_space<semaphore_mem>> -> memref<!tpu.dma_semaphore, #tpu.memory_space<semaphore_mem>>
    %dma_wait3A_63 = arith.constant 0 : i32
    %dma_wait3A_64 = tpu.memref_slice %arg6[%mul3A_25, %dma_wait3A_63] : memref<819200x64xf32, #tpu.memory_space<hbm>> -> memref<512x64xf32, #tpu.memory_space<hbm>>
    %dma_wait3A_65 = arith.constant 0 : i32
    %dma_wait3A_66 = arith.constant 0 : i32
    %dma_wait3A_67 = tpu.memref_slice %arg8[%dma_wait3A, %dma_wait3A_65, %dma_wait3A_66] : memref<2x512x64xf32, #tpu.memory_space<vmem>> -> memref<1x512x64xf32, #tpu.memory_space<vmem>>
    %dma_wait3A_68 = tpu.memref_squeeze %dma_wait3A_67 : memref<1x512x64xf32, #tpu.memory_space<vmem>> -> memref<512x64xf32, #tpu.memory_space<vmem>>
    tpu.wait_dma2 semaphore(%dma_wait3A_62 : memref<!tpu.dma_semaphore, #tpu.memory_space<semaphore_mem>>) src(%dma_wait3A_68 : memref<512x64xf32, #tpu.memory_space<vmem>>) dst(%dma_wait3A_64 : memref<512x64xf32, #tpu.memory_space<hbm>>)
    %dma_wait3A_69 = arith.constant 1 : i32
    %dma_wait3A_70 = arith.constant 1 : i32
    %dma_wait3A_71 = arith.constant 0 : i32
    %dma_wait3A_72 = arith.constant 0 : i32
    %dma_wait3A_73 = tpu.memref_slice %arg8[%dma_wait3A_69, %dma_wait3A_71, %dma_wait3A_72] : memref<2x512x64xf32, #tpu.memory_space<vmem>> -> memref<1x512x64xf32, #tpu.memory_space<vmem>>
    %dma_wait3A_74 = tpu.memref_squeeze %dma_wait3A_73 : memref<1x512x64xf32, #tpu.memory_space<vmem>> -> memref<512x64xf32, #tpu.memory_space<vmem>>
    %dma_wait3A_75 = arith.constant 0 : i32
    %dma_wait3A_76 = tpu.memref_slice %arg6[%mul3A_25, %dma_wait3A_75] : memref<819200x64xf32, #tpu.memory_space<hbm>> -> memref<512x64xf32, #tpu.memory_space<hbm>>
    %dma_wait3A_77 = tpu.memref_slice %arg12[%dma_wait3A_70] : memref<2x!tpu.dma_semaphore, #tpu.memory_space<semaphore_mem>> -> memref<1x!tpu.dma_semaphore, #tpu.memory_space<semaphore_mem>>
    %dma_wait3A_78 = tpu.memref_squeeze %dma_wait3A_77 : memref<1x!tpu.dma_semaphore, #tpu.memory_space<semaphore_mem>> -> memref<!tpu.dma_semaphore, #tpu.memory_space<semaphore_mem>>
    %dma_wait3A_79 = arith.constant 0 : i32
    %dma_wait3A_80 = tpu.memref_slice %arg6[%mul3A_25, %dma_wait3A_79] : memref<819200x64xf32, #tpu.memory_space<hbm>> -> memref<512x64xf32, #tpu.memory_space<hbm>>
    %dma_wait3A_81 = arith.constant 0 : i32
    %dma_wait3A_82 = arith.constant 0 : i32
    %dma_wait3A_83 = tpu.memref_slice %arg8[%dma_wait3A_69, %dma_wait3A_81, %dma_wait3A_82] : memref<2x512x64xf32, #tpu.memory_space<vmem>> -> memref<1x512x64xf32, #tpu.memory_space<vmem>>
    %dma_wait3A_84 = tpu.memref_squeeze %dma_wait3A_83 : memref<1x512x64xf32, #tpu.memory_space<vmem>> -> memref<512x64xf32, #tpu.memory_space<vmem>>
    tpu.wait_dma2 semaphore(%dma_wait3A_78 : memref<!tpu.dma_semaphore, #tpu.memory_space<semaphore_mem>>) src(%dma_wait3A_84 : memref<512x64xf32, #tpu.memory_space<vmem>>) dst(%dma_wait3A_80 : memref<512x64xf32, #tpu.memory_space<hbm>>)
    return
  }
}

</mosaic_0001>

<sc_bundles>
// kernel: kernel.3.cloned.1.call-start
scs
__scs_entry_jumppad:
0x0: {  	(pc) =	sbr.rel $0x88, $3  }
0x1: {  	(tag) =	ssettag $0x0;
	lr =	simm.s32 $0x1  }
0x2: {  	[smem:$0x3F9D] =	sst lr;
	_ =	strace $0xD0000000  }
0x3: {  	_ = 	snop  }
0x4: {  	_ = 	snop  }
0x5: {  	_ = 	snop  }
0x6: {  	_ = 	snop  }
0x7: {  	_ = 	snop  }
__scs_overlays_trampoline_lowered:
0x8: {  	[smem:$0x3FAC] =	sst s0  }
0x9: {  	[smem:$0x3FAD] =	sst s1  }
0xa: {  	[smem:$0x3FAE] =	sst s2  }
0xb: {  	[smem:$0x3FAF] =	sst s3  }
0xc: {  	[smem:$0x3FB0] =	sst s4  }
0xd: {  	[smem:$0x3FB1] =	sst s5  }
0xe: {  	[smem:$0x3FB2] =	sst s6  }
0xf: {  	[smem:$0x3FB3] =	sst s7  }
0x10: {  	[smem:$0x3FB4] =	sst s8  }
0x11: {  	[smem:$0x3FB5] =	sst s9;
	s0 =	simm.s32 @!p0 $0x0  }
0x12: {  	s1 =	sld [smem:$0x3F9B];
	s0 =	simm.s32 @p0 $0x1  }
0x13: {  	[smem:$0x3FB6] =	sst s0;
	s0 =	simm.s32 @!p1 $0x0  }
0x14: {  	s2 =	sld [smem:$0x3F9A];
	s0 =	simm.s32 @p1 $0x1  }
0x15: {  	[smem:$0x3FB7] =	sst s0;
	s0 =	simm.s32 @!p2 $0x0  }
0x16: {  	s3 =	sld [smem:$0x3FDB];
	s0 =	simm.s32 @p2 $0x1  }
0x17: {  	s4 =	simm.s32 $0x1BF5;
	[smem:$0x3FB9] =	sst s0  }
0x18: {  	s0 =	sld [smem:$0x3F9C];
	_ =	swait.ge [sflag:s4], $0x0  }
0x19: {  	s7 =	sld [smem:$0x3F9D]  }
0x1a: {  	s8 =	sadd.s32 $0xFFFFE003, lr  }
0x1b: {  	s9 =	sadd.s32 $0xFFFFFEF7, lr;
	s5 =	simm.s32 $0xFFFFFFFF;
	p2 =	slt.u32 s8, $0xFFFFF086  }
0x1c: {  	p1 =	slt.u32 s9, $0xF7A;
	s5 =	simm.s32 @!p2 $0x0  }
0x1d: {  	s5 =	simm.s32 @p1 $0x1;
	p0 =	seq.s32 s7, s2  }
0x1e: {  	s7 =	smul.u32 @!p0 $0xF7A, s2;
	p2 =	seq.s32 @!p0 s5, $0x0  }
0x1f: {  	s9 =	smul.u32 $0xF7A, s1;
	s8 =	simm.s32 @!p0 $0x1BF5;
	p2 =	por !p2, p0  }
0x20: {  	[sflag:s8] =	ssyncset.s32 @!p0 $0xFFFFF086;
	s6 =	sadd.s32 @!p0 s3, s7;
	s7 =	simm.s32 @!p0 $0x108  }
0x21: {  	s3 =	sadd.s32 s3, s9;
	s6 =	sadd.s32 @!p0 $0x88, s6;
	s7 =	simm.s32 @p2 $0x1082  }
0x22: {  	[simem:s7], [sflag:s8] =	dma.local @!p0 [hbm:s6], $0xF7A  }
0x23: {  	s9 =	sor.u32 $0xD0000000, s2;
	s6 =	simm.s32 $0x108;
	_ =	swait.ge @!p0 [sflag:s8], $0x0  }
0x24: {  	s3 =	sadd.s32 $0x88, s3;
	s6 =	simm.s32 @!p1 $0x1082;
	[sflag:s4] =	ssyncset.s32 $0xFFFFF086  }
0x25: {  	[simem:s6], [sflag:s4] =	dma.local [hbm:s3], $0xF7A  }
0x26: {  	[smem:$0x3F9D] =	sst s1;
	(tag) =	ssettag s2;
	_ =	strace s9  }
0x27: {  	s1 =	sld [smem:$0x3FAD]  }
0x28: {  	s2 =	sld [smem:$0x3FAE]  }
0x29: {  	s4 =	sld [smem:$0x3FB0]  }
0x2a: {  	p0 =	seq.s32 s5, $0x0;
	s5 =	sld [smem:$0x3FB1]  }
0x2b: {  	s6 =	sld [smem:$0x3FB2]  }
0x2c: {  	s7 =	sld [smem:$0x3FB3]  }
0x2d: {  	s3 =	simm.s32 $0x108;
	s8 =	sld [smem:$0x3FB4]  }
0x2e: {  	s3 =	simm.s32 @!p0 $0x1082;
	s9 =	sld [smem:$0x3FB5]  }
0x2f: {  	lr =	sadd.s32 s0, s3;
	s0 =	sld [smem:$0x3FAC]  }
0x30: {  	s3 =	sld [smem:$0x3FAF]  }
0x31: {  	[smem:$0x3FB8] =	sst s10  }
0x32: {  	s10 =	sld [smem:$0x3FB6];
	_ =	sdelay $0x3  }
0x33: {  	p0 =	seq.s32 s10, $0x1;
	s10 =	sld [smem:$0x3FB8];
	_ =	sdelay $0x3  }
0x34: {  	[smem:$0x3FB8] =	sst s10  }
0x35: {  	s10 =	sld [smem:$0x3FB7];
	_ =	sdelay $0x3  }
0x36: {  	p1 =	seq.s32 s10, $0x1;
	s10 =	sld [smem:$0x3FB8];
	_ =	sdelay $0x3  }
0x37: {  	[smem:$0x3FB8] =	sst s10  }
0x38: {  	s10 =	sld [smem:$0x3FB9]  }
0x39: {  	_ = 	snop;
	(pc) =	sbr.ind lr, $3  }
0x3a: {  	_ = 	snop  }
0x3b: {  	_ = 	snop  }
0x3c: {  	p2 =	seq.s32 s10, $0x1;
	s10 =	sld [smem:$0x3FB8]  }
0x3d: {  	_ =	shalt  }
0x3e: {  	_ =	shalt  }
0x3f: {  	_ =	shalt  }
0x40: {  	_ =	shalt  }
0x41: {  	_ =	shalt  }
0x42: {  	_ =	shalt  }
0x43: {  	_ =	shalt  }
0x44: {  	_ =	shalt  }
0x45: {  	_ =	shalt  }
0x46: {  	_ =	shalt  }
0x47: {  	_ =	shalt  }
0x48: {  	_ =	shalt  }
0x49: {  	_ =	shalt  }
0x4a: {  	_ =	shalt  }
0x4b: {  	_ =	shalt  }
0x4c: {  	_ =	shalt  }
0x4d: {  	_ =	shalt  }
0x4e: {  	_ =	shalt  }
0x4f: {  	_ =	shalt  }
0x50: {  	_ =	shalt  }
0x51: {  	_ =	shalt  }
0x52: {  	_ =	shalt  }
0x53: {  	_ =	shalt  }
0x54: {  	_ =	shalt  }
0x55: {  	_ =	shalt  }
0x56: {  	_ =	shalt  }
0x57: {  	_ =	shalt  }
0x58: {  	_ =	shalt  }
0x59: {  	_ =	shalt  }
0x5a: {  	_ =	shalt  }
0x5b: {  	_ =	shalt  }
0x5c: {  	_ =	shalt  }
0x5d: {  	_ =	shalt  }
0x5e: {  	_ =	shalt  }
0x5f: {  	_ =	shalt  }
0x60: {  	_ =	shalt  }
0x61: {  	_ =	shalt  }
0x62: {  	_ =	shalt  }
0x63: {  	_ =	shalt  }
0x64: {  	_ =	shalt  }
0x65: {  	_ =	shalt  }
0x66: {  	_ =	shalt  }
0x67: {  	_ =	shalt  }
0x68: {  	_ =	shalt  }
0x69: {  	_ =	shalt  }
0x6a: {  	_ =	shalt  }
0x6b: {  	_ =	shalt  }
0x6c: {  	_ =	shalt  }
0x6d: {  	_ =	shalt  }
0x6e: {  	_ =	shalt  }
0x6f: {  	_ =	shalt  }
0x70: {  	_ =	shalt  }
0x71: {  	_ =	shalt  }
0x72: {  	_ =	shalt  }
0x73: {  	_ =	shalt  }
0x74: {  	_ =	shalt  }
0x75: {  	_ =	shalt  }
0x76: {  	_ =	shalt  }
0x77: {  	_ =	shalt  }
0x78: {  	_ =	shalt  }
0x79: {  	_ =	shalt  }
0x7a: {  	_ =	shalt  }
0x7b: {  	_ =	shalt  }
0x7c: {  	_ =	shalt  }
0x7d: {  	_ =	shalt  }
0x7e: {  	_ =	shalt  }
0x7f: {  	_ =	shalt  }
0x80: {  	_ =	shalt  }
0x81: {  	_ =	shalt  }
0x82: {  	_ =	shalt  }
0x83: {  	_ =	shalt  }
0x84: {  	_ =	shalt  }
0x85: {  	_ =	shalt  }
0x86: {  	_ =	shalt  }
0x87: {  	_ =	shalt  }
.Lfunc_end0:
.L_simem_size_0:
called_computation.1_lowered:
.L_overlay_start_0:
0x88: {  	s2 =	sld [smem:$0x3FD9]  }
0x89: {  	s3 =	sld [smem:$0x3FFE];
	_ =	sdelay $0x1  }
0x8a: {  	s1 =	srdreg.scid  }
0x8b: {  	s0 =	sand.u32 $0x1, s1  }
0x8c: {  	s17 =	sshll.u32 s0, $0xA;
	s2 =	sadd.s32 s3, s2  }
0x8d: {  	s2 =	sadd.s32 s2, s17  }
0x8e: {  	[smem:$0x3FC4] =	sst s2  }
0x8f: {  	_ = 	snop  }
0x90: {  	s2 =	sld [smem:$0x3FC7]  }
0x91: {  	s18 =	sld [smem:$0x3FC6]  }
0x92: {  	s4 =	sld [smem:$0x3FD0];
	(tm) =	ssettm $0x1  }
0x93: {  	s5 =	sld [smem:$0x3FFB];
	_ =	sdelay $0x3  }
0x94: {  	_ =	strace s5  }
0x95: {  	s5 =	sld [smem:$0x3FFC];
	_ =	sdelay $0x3  }
0x96: {  	_ =	strace s5  }
0x97: {  	s5 =	sld [smem:$0x3FFD];
	_ =	sdelay $0x3  }
0x98: {  	_ =	strace s5  }
0x99: {  	_ =	strace $0x8FFFFFFF  }
0x9a: {  	s19 =	sld [smem:$0x3FDB];
	_ =	sdelay $0x1  }
0x9b: {  	s6 =	simm.s32 $_scs_section_size  }
0x9c: {  	s7 =	simm.s32 $_size__tile_overlayer_lowered;
	s8 =	simm.s32 $_tile_overlayer_lowered  }
0x9d: {  	s22 =	simm.s32 $0x1BFF;
	s21 =	sshll.u32 s8, $0x1;
	s5 =	sadd.s32 s6, s19  }
0x9e: {  	s9 =	simm.s32 $0x0;
	s20 =	sshll.u32 s7, $0x1;
	s7 =	sadd.s32 s21, s5  }
0x9f: {  	[timem:s9], [sflag:s22] =	dma.local [hbm:s7], s20  }
0xa0: {  	_ =	swait.ge [sflag:s22], s20  }
0xa1: {  	s6 =	ssub.s32 $0x0, s20;
	[sflag:s22] =	ssyncset.done $0x0  }
0xa2: {  	[sflag:s22] =	ssyncadd.s32 s6;
	_ =	sdelay $0x1  }
0xa3: {  	s23 =	simm.s32 $0x1B8B  }
0xa4: {  	_ =	swait.ge [sflag:s23], $0x1  }
0xa5: {  	[sflag:s23] =	ssyncset.done $0x0  }
0xa6: {  	s25 =	simm.s32 $0x1B8E;
	s24 =	sld [smem:$0x3FFE];
	[sflag:s23] =	ssyncadd.s32 $0xFFFFFFFF  }
0xa7: {  	s26 =	simm.s32 $execute0_lowered;
	[smem:$0x3FD2] =	sst s25  }
0xa8: {  	s7 =	sshll.u32 s26, $0x1;
	_ =	strace $0x80000046;
	[dreg:$0x1] =	wrdreg $0xFFFFFFFF  }
0xa9: {  	s28 =	simm.s32 $_size_execute0_lowered;
	s5 =	sadd.s32 s5, s7;
	[dreg:$0x0] =	wrdreg $0x0  }
0xaa: {  	s7 =	sshll.u32 s28, $0x1;
	[dreg:$0x2] =	wrdreg s5  }
0xab: {  	[dreg:$0x3] =	wrdreg s7  }
0xac: {  	[dreg:$0x4] =	wrdreg $0xC0  }
0xad: {  	_ =	task [dreg:s9], $0x5FFFF  }
0xae: {  	[dreg:$0x1] =	wrdreg $0xFFFFFFFF  }
0xaf: {  	[dreg:$0x0] =	wrdreg $0x60  }
0xb0: {  	[dreg:$0x2] =	wrdreg s24  }
0xb1: {  	[dreg:$0x3] =	wrdreg s2  }
0xb2: {  	[dreg:$0x4] =	wrdreg s18  }
0xb3: {  	[dreg:$0x5] =	wrdreg s4  }
0xb4: {  	[dreg:$0x6] =	wrdreg $0x9  }
0xb5: {  	_ =	task.clear_ibuf [dreg:s9], $0x7FFFF;
	_ =	strace $0x90000046  }
0xb6: {  	s29 =	simm.s32 $0x9;
	_ =	strace $0x80000048  }
0xb7: {  	_ =	swait.ge [sflag:s29], $0x1  }
0xb8: {  	[sflag:s29] =	ssyncadd.s32 $0xFFFFFFFF  }
0xb9: {  	_ =	strace $0x90000048  }
0xba: {  	_ =	sfence  }
0xbb: {  	s30 =	sld [smem:$0x0];
	_ =	sdelay $0x2  }
0xbc: {  	s31 =	sshll.u32 s1, $0xD;
	s1 =	sshrl.u32 s1, $0x2  }
0xbd: {  	s3 =	sand.u32 $0x4000, s31;
	s1 =	sadd.s32 s1, s30  }
0xbe: {  	s0 =	sor.u32 s3, s0;
	s1 =	sshll.u32 s1, $0x11  }
0xbf: {  	s0 =	sor.u32 s1, s0  }
0xc0: {  	s0 =	sadd.s32 $0x8F2B, s0  }
0xc1: {  	[sflag:s0] =	ssyncadd.remote.s32 $0x1  }
0xc2: {  	_ =	sfence.sel $0xFFFF  }
0xc3: {  	[dreg:$0x0] =	wrdreg $0xFFFFFFFF;
	(pc) =	sbr.abs _section_cstart, $3  }
0xc4: {  	[dreg:$0x1] =	wrdreg $0xFFFFFFFF  }
0xc5: {  	_ =	task.clear_ibuf [dreg:s9], $0x2FFFF;
	_ =	strace $0x9FFFFFFF  }
0xc6: {  	(tm) =	ssettm $0x7FFFFFFF  }
0xc7: {  	_ =	shalt  }
tec
execute0_lowered:
.L_overlay_start_1:
0x0: {  	(tag) =	ssettag $0x1  }
0x1: {  	v0 =	vimm.s32 $0xFEDCBA98;
	s6 =	rddreg [dreg:$0x0];
	v1 =	vimm.s32 $0x76543210  }
0x2: {  	s0 =	rddreg [dreg:$0x1];
	v2 =	vimm.s32 $0xBA98FEDC;
	v3 =	vimm.s32 $0x32107654;
	v4 =	vimm.s32 $0xDCFE98BA  }
0x3: {  	s2 =	rddreg [dreg:$0x2];
	s3 =	srdreg.scid;
	v5 =	vimm.s32 $0x54761032;
	v6 =	vimm.s32 $0xEFCDAB89;
	v7 =	vimm.s32 $0x67452301  }
0x4: {  	s1 =	stileid.u32;
	s4 =	rddreg [dreg:$0x3];
	v0 =	vunpack.c.l.s4.s8 v0;
	v1 =	vunpack.c.l.s4.s8 v1;
	v2 =	vunpack.c.l.s4.s8 v2  }
0x5: {  	s5 =	simm.s32 $0x0;
	s11 =	simm.s32 $0x5;
	s12 =	simm.s32 $0x16440;
	v3 =	vunpack.c.l.s4.s8 v3;
	v4 =	vunpack.c.l.s4.s8 v4;
	v5 =	vunpack.c.l.s4.s8 v5  }
0x6: {  	s13 =	simm.s32 $0x200;
	s14 =	simm.s32 $0x6400;
	s15 =	simm.s32 $0x3;
	v6 =	vunpack.c.l.s4.s8 v6;
	v7 =	vunpack.c.l.s4.s8 v7;
	v0 =	vunpack.c.0.s8.s32 v0  }
0x7: {  	s16 =	simm.s32 $0x4;
	s7 =	sand.u32 $0x1, s3;
	s8 =	sshll.u32 s1, $0x1;
	v2 =	vunpack.c.0.s8.s32 v2;
	v3 =	vunpack.c.0.s8.s32 v3;
	v4 =	vunpack.c.0.s8.s32 v4  }
0x8: {  	s17 =	simm.s32 $0x0;
	s3 =	rddreg [dreg:$0x4];
	s8 =	sor.u32 s7, s8;
	v5 =	vunpack.c.0.s8.s32 v5;
	v6 =	vunpack.c.0.s8.s32 v6;
	v7 =	vunpack.c.0.s8.s32 v7  }
0x9: {  	[smem:$0x7FF] =	sst s5;
	s7 =	ssub.s32 $0x2, s7;
	s9 =	smul.u32 $0xC80, s8;
	v1 =	vunpack.c.0.s8.s32 v1;
	v2 =	vcombine.low v3, v2  }
0xa: {  	_ =	strace $0x80000047;
	s10 =	sshrl.u32 s7, $0x1;
	s8 =	smul.u32 $0x190000, s8;
	v3 =	vcombine.low v5, v4;
	v4 =	vcombine.low v7, v6;
	v0 =	vand.u32 $0xF, v0  }
0xb: {  	s10 =	ssub.s32 s7, s10;
	s9 =	sadd.s32 s9, s6;
	s6 =	sadd.s32 $0xF42E00, s6;
	v0 =	vcombine.low v0, v1  }
0xc: {  	s7 =	sadd.s32 $0xA00, s9;
	s9 =	smax.u32 s10, $0x1;
	s10 =	simm.s32 $0x16400;
	v1 =	vand.u32 $0xF, v2;
	v2 =	vand.u32 $0xF, v3;
	v3 =	vand.u32 $0xF, v4  }
.LBB2_1:
0xd: {  	[tilespmem:s10], [sflag:$0x5] =	stream.linear.gather [hbm4b:s0+s5], $0x40, $0x38;
	[tilespmem:$0x16480] =	vst v63  }
0xe: {  	_ =	swait.ge [sflag:s11], $0x40  }
0xf: {  	[sflag:s11] =	ssyncset.done $0x0  }
0x10: {  	[sflag:s11] =	ssyncadd.s32 $0xFFFFFFC0  }
0x11: {  	[tilespmem:s12], [sflag:$0x5] =	stream.linear.gather [hbm4b:s2+s5], $0x40, $0x38;
	[tilespmem:$0x16480] =	vst v63  }
0x12: {  	_ =	swait.ge [sflag:s11], $0x40  }
0x13: {  	[sflag:s11] =	ssyncset.done $0x0  }
0x14: {  	[sflag:s11] =	ssyncadd.s32 $0xFFFFFFC0  }
0x15: {  	v4 =	vld [tilespmem:$0x16400]  }
0x16: {  	v5 =	vld [tilespmem:$0x16410]  }
0x17: {  	v6 =	vld [tilespmem:$0x16420]  }
0x18: {  	v7 =	vld [tilespmem:$0x16430]  }
0x19: {  	v8 =	vld [tilespmem:$0x16440]  }
0x1a: {  	v9 =	vld [tilespmem:$0x16450]  }
0x1b: {  	v10 =	vld [tilespmem:$0x16460]  }
0x1c: {  	v11 =	vld [tilespmem:$0x16470];
	[tilespmem:s5], [sflag:$0x5] =	stream.linear.gather [hbm4b:s7+s5], $0x6400, $0x38  }
0x1d: {  	_ =	swait.ge [sflag:s11], $0x6400  }
0x1e: {  	[sflag:s11] =	ssyncset.done $0x0  }
0x1f: {  	p0 =	por $0x0, $0x0;
	s20 =	simm.s32 $0x0;
	[sflag:s11] =	ssyncadd.s32 $0xFFFF9C00  }
0x20: {  	[tilespmem:s14], [sflag:$0x1] =	stream.indirect.gather [hbm4b:s6+s13], $0x40, s5, s13, $0xb8;
	[tilespmem:$0x16480] =	vst v63  }
.LBB2_2:
0x21: {  	p1 =	seq.s32 s20, $0x0  }
.Ltmp0:
0x22: {  	_ = 	snop;
	(pc) =	sbr.rel @p1 .LBB2_5-.Ltmp0, $3  }
0x23: {  	_ =	sdelay $0x1  }
0x24: {  	s19 =	sand.u32 $0x1, s20  }
0x25: {  	s18 =	sadd.s32 $0x1, s20;
	s21 =	sxor.u32 $0x1, s19  }
0x26: {  	p1 =	seq.s32 s20, $0x31  }
.Ltmp1:
0x27: {  	_ = 	snop;
	(pc) =	sbr.rel @p1 .LBB2_6-.Ltmp1, $1  }
0x28: {  	_ =	sdelay $0x3  }
0x29: {  	s22 =	sadd.s32 $0x3, s21  }
0x2a: {  	_ =	swait.ge [sflag:s22], $0x8000  }
0x2b: {  	[sflag:s22] =	ssyncset.done $0x0  }
0x2c: {  	[sflag:s22] =	ssyncadd.s32 $0xFFFF8000  }
.LBB2_5:
0x2d: {  	s22 =	sshll.u32 s21, $0xF;
	s23 =	sshll.u32 s18, $0x9  }
0x2e: {  	s31 =	sadd.s32 $0x1, s21;
	s22 =	sor.u32 $0x6400, s22;
	s23 =	sand.u32 $0x3FFFFE00, s23  }
0x2f: {  	[tilespmem:s22], [sflag:s31] =	stream.indirect.gather [hbm4b:s6+s13], $0x40, s23, s13, $0xb8;
	[tilespmem:$0x16480] =	vst v63  }
.LBB2_6:
0x30: {  	s21 =	simm.s32 $0x1  }
0x31: {  	s21 =	simm.s32 @!p0 $0x0  }
0x32: {  	s21 =	sshll.u32 s21, $0xF  }
0x33: {  	s21 =	sor.u32 $0x6400, s21  }
0x34: {  	v12 =	vmov s21  }
0x35: {  	s31 =	sadd.s32 $0x1, s19  }
0x36: {  	_ =	swait.ge [sflag:s31], $0x8000  }
0x37: {  	[sflag:s31] =	ssyncset.done $0x0  }
0x38: {  	[sflag:s31] =	ssyncadd.s32 $0xFFFF8000;
	s21 =	simm.s32 $0x0  }
0x39: {  	v13 =	vld.idx.msk [tilespmem:v12+s21+$0x30 ss:$0x1], $0xffff  }
0x3a: {  	v14 =	vld.idx.msk [tilespmem:v12+s21+$0x20 ss:$0x1], $0xffff  }
0x3b: {  	v15 =	vld.idx.msk [tilespmem:v12+s21+$0x10 ss:$0x1], $0xffff  }
0x3c: {  	v16 =	vld.idx.msk [tilespmem:v12+s21+$0x0 ss:$0x1], $0xffff;
	_ =	sdelay $0x3  }
0x3d: {  	v17 =	vmul.f32 v13, v13;
	v18 =	vadd.f32 v13, v14;
	v19 =	vmul.f32 v14, v14  }
0x3e: {  	v20 =	vmul.f32 v15, v15;
	v21 =	vadd.f32 v15, v16;
	v22 =	vmul.f32 v16, v16  }
0x3f: {  	v17 =	vadd.f32 v17, v19  }
0x40: {  	v18 =	vadd.f32 v18, v21;
	v19 =	vadd.f32 v20, v22;
	_ =	sdelay $0x1  }
0x41: {  	v17 =	vadd.f32 v17, v19;
	v19 =	vperm.xlane v18, v0;
	_ =	sdelay $0x1  }
0x42: {  	v18 =	vadd.f32 v18, v19;
	v19 =	vperm.xlane v17, v0;
	_ =	sdelay $0x1  }
0x43: {  	v17 =	vadd.f32 v17, v19;
	v19 =	vperm.xlane v18, v1;
	_ =	sdelay $0x1  }
0x44: {  	v18 =	vadd.f32 v19, v18;
	v19 =	vperm.xlane v17, v1;
	_ =	sdelay $0x1  }
0x45: {  	v17 =	vadd.f32 v19, v17;
	v19 =	vperm.xlane v18, v2;
	_ =	sdelay $0x1  }
0x46: {  	v18 =	vadd.f32 v19, v18;
	v19 =	vperm.xlane v17, v2;
	_ =	sdelay $0x1  }
0x47: {  	v17 =	vadd.f32 v19, v17;
	v19 =	vperm.xlane v18, v3;
	_ =	sdelay $0x1  }
0x48: {  	v18 =	vadd.f32 v19, v18;
	v19 =	vperm.xlane v17, v3;
	_ =	sdelay $0x1  }
0x49: {  	v17 =	vadd.f32 v19, v17;
	v18 =	vmul.f32 $1.562500000e-02, v18;
	_ =	sdelay $0x1  }
0x4a: {  	v17 =	vmul.f32 $1.562500000e-02, v17;
	v19 =	vmul.f32 v18, v18;
	_ =	sdelay $0x1  }
0x4b: {  	v17 =	vsub.f32 v17, v19;
	_ =	sdelay $0x1  }
0x4c: {  	v17 =	vadd.f32 $9.999999740e-06, v17;
	_ =	sdelay $0x1  }
0x4d: {  	v19 =	vshra.s32 v17, $0x1;
	v17 =	vmul.f32 $5.000000000e-01, v17  }
0x4e: {  	v19 =	vsub.s32 $0x5F3759DF, v19  }
0x4f: {  	v51 =	vmul.f32 v19, v17;
	_ =	sdelay $0x1  }
0x50: {  	v20 =	vmul.f32 v19, v51;
	_ =	sdelay $0x1  }
0x51: {  	v20 =	vsub.f32 $1.500000000e+00, v20;
	_ =	sdelay $0x1  }
0x52: {  	v19 =	vmul.f32 v19, v20;
	_ =	sdelay $0x1  }
0x53: {  	v17 =	vmul.f32 v19, v17;
	_ =	sdelay $0x1  }
0x54: {  	v17 =	vmul.f32 v17, v19;
	_ =	sdelay $0x1  }
0x55: {  	v17 =	vsub.f32 $1.500000000e+00, v17;
	_ =	sdelay $0x1  }
0x56: {  	v16 =	vsub.f32 v16, v18;
	v17 =	vmul.f32 v17, v19  }
0x57: {  	v15 =	vsub.f32 v15, v18  }
0x58: {  	v14 =	vsub.f32 v14, v18;
	v16 =	vmul.f32 v17, v16  }
0x59: {  	v13 =	vsub.f32 v13, v18;
	v15 =	vmul.f32 v17, v15  }
0x5a: {  	v14 =	vmul.f32 v17, v14;
	v16 =	vmul.f32 v16, v4  }
0x5b: {  	v13 =	vmul.f32 v17, v13;
	v15 =	vmul.f32 v15, v5  }
0x5c: {  	v14 =	vmul.f32 v14, v6;
	v16 =	vadd.f32 v16, v8  }
0x5d: {  	v13 =	vmul.f32 v13, v7;
	v15 =	vadd.f32 v15, v9  }
0x5e: {  	v14 =	vadd.f32 v14, v10;
	[tilespmem:v12+s21+$0x0 ss:$0x1] =	vst.idx.msk $0xffff, v16  }
0x5f: {  	v13 =	vadd.f32 v13, v11;
	[tilespmem:v12+s21+$0x10 ss:$0x1] =	vst.idx.msk $0xffff, v15  }
0x60: {  	[tilespmem:v12+s21+$0x20 ss:$0x1] =	vst.idx.msk $0xffff, v14  }
0x61: {  	[tilespmem:v12+s21+$0x30 ss:$0x1] =	vst.idx.msk $0xffff, v13;
	v13 =	vld.idx.msk [tilespmem:v12+s21+$0x70 ss:$0x1], $0xffff  }
0x62: {  	v14 =	vld.idx.msk [tilespmem:v12+s21+$0x40 ss:$0x1], $0xffff  }
0x63: {  	v15 =	vld.idx.msk [tilespmem:v12+s21+$0x50 ss:$0x1], $0xffff  }
0x64: {  	v16 =	vld.idx.msk [tilespmem:v12+s21+$0x60 ss:$0x1], $0xffff;
	_ =	sdelay $0x2  }
0x65: {  	v54 =	vmul.f32 v13, v13  }
0x66: {  	v17 =	vmul.f32 v14, v14;
	v19 =	vmul.f32 v15, v15  }
0x67: {  	v18 =	vadd.f32 v15, v14;
	v52 =	vadd.f32 v13, v16;
	v53 =	vmul.f32 v16, v16  }
0x68: {  	v17 =	vadd.f32 v19, v17  }
0x69: {  	v18 =	vadd.f32 v52, v18;
	v19 =	vadd.f32 v54, v53;
	_ =	sdelay $0x1  }
0x6a: {  	v17 =	vadd.f32 v19, v17;
	v19 =	vperm.xlane v18, v0;
	_ =	sdelay $0x1  }
0x6b: {  	v18 =	vadd.f32 v18, v19;
	v19 =	vperm.xlane v17, v0;
	_ =	sdelay $0x1  }
0x6c: {  	v17 =	vadd.f32 v17, v19;
	v19 =	vperm.xlane v18, v1;
	_ =	sdelay $0x1  }
0x6d: {  	v18 =	vadd.f32 v19, v18;
	v19 =	vperm.xlane v17, v1;
	_ =	sdelay $0x1  }
0x6e: {  	v17 =	vadd.f32 v19, v17;
	v19 =	vperm.xlane v18, v2;
	_ =	sdelay $0x1  }
0x6f: {  	v18 =	vadd.f32 v19, v18;
	v19 =	vperm.xlane v17, v2;
	_ =	sdelay $0x1  }
0x70: {  	v17 =	vadd.f32 v19, v17;
	v19 =	vperm.xlane v18, v3;
	_ =	sdelay $0x1  }
0x71: {  	v18 =	vadd.f32 v19, v18;
	v19 =	vperm.xlane v17, v3;
	_ =	sdelay $0x1  }
0x72: {  	v17 =	vadd.f32 v19, v17;
	v18 =	vmul.f32 $1.562500000e-02, v18;
	_ =	sdelay $0x1  }
0x73: {  	v17 =	vmul.f32 $1.562500000e-02, v17;
	v19 =	vmul.f32 v18, v18;
	_ =	sdelay $0x1  }
0x74: {  	v17 =	vsub.f32 v17, v19;
	_ =	sdelay $0x1  }
0x75: {  	v17 =	vadd.f32 $9.999999740e-06, v17;
	_ =	sdelay $0x1  }
0x76: {  	v19 =	vshra.s32 v17, $0x1;
	v17 =	vmul.f32 $5.000000000e-01, v17  }
0x77: {  	v19 =	vsub.s32 $0x5F3759DF, v19  }
0x78: {  	v55 =	vmul.f32 v19, v17;
	_ =	sdelay $0x1  }
0x79: {  	v20 =	vmul.f32 v19, v55;
	_ =	sdelay $0x1  }
0x7a: {  	v20 =	vsub.f32 $1.500000000e+00, v20;
	_ =	sdelay $0x1  }
0x7b: {  	v19 =	vmul.f32 v19, v20;
	_ =	sdelay $0x1  }
0x7c: {  	v17 =	vmul.f32 v19, v17;
	_ =	sdelay $0x1  }
0x7d: {  	v17 =	vmul.f32 v17, v19;
	_ =	sdelay $0x1  }
0x7e: {  	v17 =	vsub.f32 $1.500000000e+00, v17;
	_ =	sdelay $0x1  }
0x7f: {  	v14 =	vsub.f32 v14, v18;
	v17 =	vmul.f32 v17, v19  }
0x80: {  	v15 =	vsub.f32 v15, v18  }
0x81: {  	v16 =	vsub.f32 v16, v18;
	v14 =	vmul.f32 v17, v14  }
0x82: {  	v13 =	vsub.f32 v13, v18;
	v15 =	vmul.f32 v17, v15  }
0x83: {  	v16 =	vmul.f32 v17, v16;
	v14 =	vmul.f32 v14, v4  }
0x84: {  	v13 =	vmul.f32 v17, v13;
	v15 =	vmul.f32 v15, v5  }
0x85: {  	v16 =	vmul.f32 v16, v6;
	v14 =	vadd.f32 v14, v8  }
0x86: {  	v13 =	vmul.f32 v13, v7;
	v15 =	vadd.f32 v15, v9  }
0x87: {  	[tilespmem:v12+s21+$0x40 ss:$0x1] =	vst.idx.msk $0xffff, v14;
	v14 =	vadd.f32 v16, v10  }
0x88: {  	v13 =	vadd.f32 v13, v11;
	[tilespmem:v12+s21+$0x50 ss:$0x1] =	vst.idx.msk $0xffff, v15  }
0x89: {  	[tilespmem:v12+s21+$0x60 ss:$0x1] =	vst.idx.msk $0xffff, v14  }
0x8a: {  	[tilespmem:v12+s21+$0x70 ss:$0x1] =	vst.idx.msk $0xffff, v13;
	v13 =	vld.idx.msk [tilespmem:v12+s21+$0xB0 ss:$0x1], $0xffff  }
0x8b: {  	v14 =	vld.idx.msk [tilespmem:v12+s21+$0xA0 ss:$0x1], $0xffff  }
0x8c: {  	v15 =	vld.idx.msk [tilespmem:v12+s21+$0x80 ss:$0x1], $0xffff  }
0x8d: {  	v16 =	vld.idx.msk [tilespmem:v12+s21+$0x90 ss:$0x1], $0xffff;
	_ =	sdelay $0x2  }
0x8e: {  	v19 =	vmul.f32 v13, v13  }
0x8f: {  	v17 =	vmul.f32 v14, v14;
	v18 =	vmul.f32 v15, v15  }
0x90: {  	v56 =	vadd.f32 v16, v15;
	v57 =	vadd.f32 v13, v14;
	v58 =	vmul.f32 v16, v16  }
0x91: {  	v17 =	vadd.f32 v19, v17  }
0x92: {  	v19 =	vadd.f32 v57, v56;
	v18 =	vadd.f32 v58, v18;
	_ =	sdelay $0x1  }
0x93: {  	v17 =	vadd.f32 v17, v18;
	v18 =	vperm.xlane v19, v0;
	_ =	sdelay $0x1  }
0x94: {  	v18 =	vadd.f32 v19, v18;
	v19 =	vperm.xlane v17, v0;
	_ =	sdelay $0x1  }
0x95: {  	v17 =	vadd.f32 v17, v19;
	v19 =	vperm.xlane v18, v1;
	_ =	sdelay $0x1  }
0x96: {  	v18 =	vadd.f32 v19, v18;
	v19 =	vperm.xlane v17, v1;
	_ =	sdelay $0x1  }
0x97: {  	v17 =	vadd.f32 v19, v17;
	v19 =	vperm.xlane v18, v2;
	_ =	sdelay $0x1  }
0x98: {  	v18 =	vadd.f32 v19, v18;
	v19 =	vperm.xlane v17, v2;
	_ =	sdelay $0x1  }
0x99: {  	v17 =	vadd.f32 v19, v17;
	v19 =	vperm.xlane v18, v3;
	_ =	sdelay $0x1  }
0x9a: {  	v18 =	vadd.f32 v19, v18;
	v19 =	vperm.xlane v17, v3;
	_ =	sdelay $0x1  }
0x9b: {  	v17 =	vadd.f32 v19, v17;
	v18 =	vmul.f32 $1.562500000e-02, v18;
	_ =	sdelay $0x1  }
0x9c: {  	v17 =	vmul.f32 $1.562500000e-02, v17;
	v19 =	vmul.f32 v18, v18;
	_ =	sdelay $0x1  }
0x9d: {  	v17 =	vsub.f32 v17, v19;
	_ =	sdelay $0x1  }
0x9e: {  	v17 =	vadd.f32 $9.999999740e-06, v17;
	_ =	sdelay $0x1  }
0x9f: {  	v19 =	vshra.s32 v17, $0x1;
	v17 =	vmul.f32 $5.000000000e-01, v17  }
0xa0: {  	v19 =	vsub.s32 $0x5F3759DF, v19  }
0xa1: {  	v59 =	vmul.f32 v19, v17;
	_ =	sdelay $0x1  }
0xa2: {  	v20 =	vmul.f32 v19, v59;
	_ =	sdelay $0x1  }
0xa3: {  	v20 =	vsub.f32 $1.500000000e+00, v20;
	_ =	sdelay $0x1  }
0xa4: {  	v19 =	vmul.f32 v19, v20;
	_ =	sdelay $0x1  }
0xa5: {  	v17 =	vmul.f32 v19, v17;
	_ =	sdelay $0x1  }
0xa6: {  	v17 =	vmul.f32 v17, v19;
	_ =	sdelay $0x1  }
0xa7: {  	v17 =	vsub.f32 $1.500000000e+00, v17;
	_ =	sdelay $0x1  }
0xa8: {  	v15 =	vsub.f32 v15, v18;
	v17 =	vmul.f32 v17, v19  }
0xa9: {  	v16 =	vsub.f32 v16, v18  }
0xaa: {  	v14 =	vsub.f32 v14, v18;
	v15 =	vmul.f32 v17, v15  }
0xab: {  	v13 =	vsub.f32 v13, v18;
	v16 =	vmul.f32 v17, v16  }
0xac: {  	v14 =	vmul.f32 v17, v14;
	v15 =	vmul.f32 v15, v4  }
0xad: {  	v13 =	vmul.f32 v17, v13;
	v16 =	vmul.f32 v16, v5  }
0xae: {  	v14 =	vmul.f32 v14, v6;
	v15 =	vadd.f32 v15, v8  }
0xaf: {  	v13 =	vmul.f32 v13, v7;
	v16 =	vadd.f32 v16, v9  }
0xb0: {  	v14 =	vadd.f32 v14, v10;
	[tilespmem:v12+s21+$0x80 ss:$0x1] =	vst.idx.msk $0xffff, v15  }
0xb1: {  	v13 =	vadd.f32 v13, v11;
	[tilespmem:v12+s21+$0x90 ss:$0x1] =	vst.idx.msk $0xffff, v16  }
0xb2: {  	[tilespmem:v12+s21+$0xA0 ss:$0x1] =	vst.idx.msk $0xffff, v14  }
0xb3: {  	v17 =	vld.idx.msk [tilespmem:v12+s21+$0xF0 ss:$0x1], $0xffff;
	[tilespmem:v12+s21+$0xB0 ss:$0x1] =	vst.idx.msk $0xffff, v13  }
0xb4: {  	v14 =	vld.idx.msk [tilespmem:v12+s21+$0xE0 ss:$0x1], $0xffff  }
0xb5: {  	v13 =	vld.idx.msk [tilespmem:v12+s21+$0xC0 ss:$0x1], $0xffff  }
0xb6: {  	v15 =	vld.idx.msk [tilespmem:v12+s21+$0xD0 ss:$0x1], $0xffff;
	_ =	sdelay $0x3  }
0xb7: {  	v19 =	vmul.f32 v17, v17;
	v16 =	vmul.f32 v14, v14;
	v18 =	vadd.f32 v17, v14  }
0xb8: {  	v60 =	vmul.f32 v13, v13;
	v61 =	vadd.f32 v15, v13;
	v62 =	vmul.f32 v15, v15  }
0xb9: {  	v16 =	vadd.f32 v19, v16  }
0xba: {  	v18 =	vadd.f32 v18, v61;
	v19 =	vadd.f32 v62, v60;
	_ =	sdelay $0x1  }
0xbb: {  	v16 =	vadd.f32 v16, v19;
	v19 =	vperm.xlane v18, v0;
	_ =	sdelay $0x1  }
0xbc: {  	v18 =	vadd.f32 v18, v19;
	v19 =	vperm.xlane v16, v0;
	_ =	sdelay $0x1  }
0xbd: {  	v16 =	vadd.f32 v16, v19;
	v19 =	vperm.xlane v18, v1;
	_ =	sdelay $0x1  }
0xbe: {  	v18 =	vadd.f32 v19, v18;
	v19 =	vperm.xlane v16, v1;
	_ =	sdelay $0x1  }
0xbf: {  	v16 =	vadd.f32 v19, v16;
	v19 =	vperm.xlane v18, v2;
	_ =	sdelay $0x1  }
0xc0: {  	v18 =	vadd.f32 v19, v18;
	v19 =	vperm.xlane v16, v2;
	_ =	sdelay $0x1  }
0xc1: {  	v16 =	vadd.f32 v19, v16;
	v19 =	vperm.xlane v18, v3;
	_ =	sdelay $0x1  }
0xc2: {  	v18 =	vadd.f32 v19, v18;
	v19 =	vperm.xlane v16, v3;
	_ =	sdelay $0x1  }
0xc3: {  	v16 =	vadd.f32 v19, v16;
	v18 =	vmul.f32 $1.562500000e-02, v18;
	_ =	sdelay $0x1  }
0xc4: {  	v16 =	vmul.f32 $1.562500000e-02, v16;
	v19 =	vmul.f32 v18, v18;
	_ =	sdelay $0x1  }
0xc5: {  	v16 =	vsub.f32 v16, v19;
	_ =	sdelay $0x1  }
0xc6: {  	v16 =	vadd.f32 $9.999999740e-06, v16;
	_ =	sdelay $0x1  }
0xc7: {  	v19 =	vshra.s32 v16, $0x1;
	v16 =	vmul.f32 $5.000000000e-01, v16  }
0xc8: {  	v19 =	vsub.s32 $0x5F3759DF, v19  }
0xc9: {  	v63 =	vmul.f32 v19, v16;
	_ =	sdelay $0x1  }
0xca: {  	v20 =	vmul.f32 v19, v63;
	_ =	sdelay $0x1  }
0xcb: {  	v20 =	vsub.f32 $1.500000000e+00, v20;
	_ =	sdelay $0x1  }
0xcc: {  	v19 =	vmul.f32 v19, v20;
	_ =	sdelay $0x1  }
0xcd: {  	v16 =	vmul.f32 v19, v16;
	_ =	sdelay $0x1  }
0xce: {  	v16 =	vmul.f32 v16, v19;
	_ =	sdelay $0x1  }
0xcf: {  	v16 =	vsub.f32 $1.500000000e+00, v16;
	_ =	sdelay $0x1  }
0xd0: {  	s22 =	sshll.u32 s19, $0xF;
	v13 =	vsub.f32 v13, v18;
	v15 =	vsub.f32 v15, v18;
	v16 =	vmul.f32 v16, v19  }
0xd1: {  	s23 =	simm.s32 $0x400;
	s22 =	sor.u32 $0x6400, s22;
	v14 =	vsub.f32 v14, v18;
	v17 =	vsub.f32 v17, v18  }
.LBB2_7:
0xd2: {  	p1 =	sne.s32 s23, $0x1FC00;
	v13 =	vmul.f32 v16, v13;
	v15 =	vmul.f32 v16, v15;
	s24 =	smov.u32 s23;
	s23 =	sadd.s32 $0x400, s23  }
0xd3: {  	v14 =	vmul.f32 v16, v14;
	v16 =	vmul.f32 v16, v17  }
0xd4: {  	v13 =	vmul.f32 v13, v4;
	v15 =	vmul.f32 v15, v5  }
0xd5: {  	v14 =	vmul.f32 v14, v6;
	v16 =	vmul.f32 v16, v7  }
0xd6: {  	v13 =	vadd.f32 v13, v8;
	v15 =	vadd.f32 v15, v9  }
0xd7: {  	v14 =	vadd.f32 v14, v10  }
0xd8: {  	[tilespmem:v12+s21+$0xC0 ss:$0x1] =	vst.idx.msk $0xffff, v13;
	v13 =	vadd.f32 v16, v11  }
0xd9: {  	[tilespmem:v12+s21+$0xD0 ss:$0x1] =	vst.idx.msk $0xffff, v15  }
0xda: {  	s24 =	sshra.s32 s24, $0x2;
	[tilespmem:v12+s21+$0xE0 ss:$0x1] =	vst.idx.msk $0xffff, v14  }
0xdb: {  	v14 =	vld.idx.msk [tilespmem:v12+s24+$0x30 ss:$0x1], $0xffff;
	[tilespmem:v12+s21+$0xF0 ss:$0x1] =	vst.idx.msk $0xffff, v13;
	s21 =	smov.u32 s24  }
0xdc: {  	v13 =	vld.idx.msk [tilespmem:v12+s21+$0x20 ss:$0x1], $0xffff  }
0xdd: {  	v15 =	vld.idx.msk [tilespmem:v12+s21+$0x10 ss:$0x1], $0xffff  }
0xde: {  	v16 =	vld.idx.msk [tilespmem:v12+s21+$0x0 ss:$0x1], $0xffff;
	_ =	sdelay $0x2  }
0xdf: {  	v17 =	vmul.f32 v14, v14  }
0xe0: {  	v18 =	vadd.f32 v14, v13;
	v19 =	vmul.f32 v13, v13  }
0xe1: {  	v20 =	vmul.f32 v15, v15  }
0xe2: {  	v21 =	vadd.f32 v15, v16;
	v22 =	vmul.f32 v16, v16;
	v17 =	vadd.f32 v17, v19;
	_ =	sdelay $0x1  }
0xe3: {  	v18 =	vadd.f32 v18, v21;
	v19 =	vadd.f32 v20, v22;
	_ =	sdelay $0x1  }
0xe4: {  	v17 =	vadd.f32 v17, v19;
	v19 =	vperm.xlane v18, v0;
	_ =	sdelay $0x1  }
0xe5: {  	v18 =	vadd.f32 v18, v19;
	v19 =	vperm.xlane v17, v0;
	_ =	sdelay $0x1  }
0xe6: {  	v17 =	vadd.f32 v17, v19;
	v19 =	vperm.xlane v18, v1;
	_ =	sdelay $0x1  }
0xe7: {  	v18 =	vadd.f32 v19, v18;
	v19 =	vperm.xlane v17, v1;
	_ =	sdelay $0x1  }
0xe8: {  	v17 =	vadd.f32 v19, v17;
	v19 =	vperm.xlane v18, v2;
	_ =	sdelay $0x1  }
0xe9: {  	v18 =	vadd.f32 v19, v18;
	v19 =	vperm.xlane v17, v2;
	_ =	sdelay $0x1  }
0xea: {  	v17 =	vadd.f32 v19, v17;
	v19 =	vperm.xlane v18, v3;
	_ =	sdelay $0x1  }
0xeb: {  	v18 =	vadd.f32 v19, v18;
	v19 =	vperm.xlane v17, v3;
	_ =	sdelay $0x1  }
0xec: {  	v17 =	vadd.f32 v19, v17;
	v18 =	vmul.f32 $1.562500000e-02, v18;
	_ =	sdelay $0x1  }
0xed: {  	v17 =	vmul.f32 $1.562500000e-02, v17;
	v19 =	vmul.f32 v18, v18;
	v16 =	vsub.f32 v16, v18  }
0xee: {  	v15 =	vsub.f32 v15, v18;
	v13 =	vsub.f32 v13, v18  }
0xef: {  	v14 =	vsub.f32 v14, v18;
	v17 =	vsub.f32 v17, v19;
	_ =	sdelay $0x1  }
0xf0: {  	v17 =	vadd.f32 $9.999999740e-06, v17;
	_ =	sdelay $0x1  }
0xf1: {  	v18 =	vshra.s32 v17, $0x1;
	v17 =	vmul.f32 $5.000000000e-01, v17  }
0xf2: {  	v18 =	vsub.s32 $0x5F3759DF, v18  }
0xf3: {  	v19 =	vmul.f32 v18, v17;
	_ =	sdelay $0x1  }
0xf4: {  	v19 =	vmul.f32 v18, v19;
	_ =	sdelay $0x1  }
0xf5: {  	v19 =	vsub.f32 $1.500000000e+00, v19;
	_ =	sdelay $0x1  }
0xf6: {  	v18 =	vmul.f32 v18, v19;
	_ =	sdelay $0x1  }
0xf7: {  	v17 =	vmul.f32 v18, v17;
	_ =	sdelay $0x1  }
0xf8: {  	v17 =	vmul.f32 v17, v18;
	_ =	sdelay $0x1  }
0xf9: {  	v17 =	vsub.f32 $1.500000000e+00, v17;
	_ =	sdelay $0x1  }
0xfa: {  	v17 =	vmul.f32 v17, v18;
	_ =	sdelay $0x1  }
0xfb: {  	v16 =	vmul.f32 v17, v16;
	v13 =	vmul.f32 v17, v13  }
0xfc: {  	v15 =	vmul.f32 v17, v15;
	v14 =	vmul.f32 v17, v14  }
0xfd: {  	v16 =	vmul.f32 v16, v4;
	v13 =	vmul.f32 v13, v6  }
0xfe: {  	v15 =	vmul.f32 v15, v5;
	v14 =	vmul.f32 v14, v7  }
0xff: {  	v16 =	vadd.f32 v16, v8  }
0x100: {  	v15 =	vadd.f32 v15, v9  }
0x101: {  	v13 =	vadd.f32 v13, v10;
	[tilespmem:v12+s21+$0x0 ss:$0x1] =	vst.idx.msk $0xffff, v16  }
0x102: {  	v14 =	vadd.f32 v14, v11;
	[tilespmem:v12+s21+$0x10 ss:$0x1] =	vst.idx.msk $0xffff, v15  }
0x103: {  	[tilespmem:v12+s21+$0x20 ss:$0x1] =	vst.idx.msk $0xffff, v13  }
0x104: {  	[tilespmem:v12+s21+$0x30 ss:$0x1] =	vst.idx.msk $0xffff, v14;
	v13 =	vld.idx.msk [tilespmem:v12+s21+$0x70 ss:$0x1], $0xffff  }
0x105: {  	v14 =	vld.idx.msk [tilespmem:v12+s21+$0x40 ss:$0x1], $0xffff  }
0x106: {  	v15 =	vld.idx.msk [tilespmem:v12+s21+$0x50 ss:$0x1], $0xffff  }
0x107: {  	v16 =	vld.idx.msk [tilespmem:v12+s21+$0x60 ss:$0x1], $0xffff;
	_ =	sdelay $0x3  }
0x108: {  	v17 =	vmul.f32 v14, v14  }
0x109: {  	v18 =	vadd.f32 v15, v14;
	v19 =	vmul.f32 v15, v15  }
0x10a: {  	v22 =	vmul.f32 v13, v13;
	v20 =	vadd.f32 v13, v16;
	v21 =	vmul.f32 v16, v16  }
0x10b: {  	v17 =	vadd.f32 v19, v17  }
0x10c: {  	v18 =	vadd.f32 v20, v18;
	v19 =	vadd.f32 v22, v21;
	_ =	sdelay $0x1  }
0x10d: {  	v17 =	vadd.f32 v19, v17;
	v19 =	vperm.xlane v18, v0;
	_ =	sdelay $0x1  }
0x10e: {  	v18 =	vadd.f32 v18, v19;
	v19 =	vperm.xlane v17, v0;
	_ =	sdelay $0x1  }
0x10f: {  	v17 =	vadd.f32 v17, v19;
	v19 =	vperm.xlane v18, v1;
	_ =	sdelay $0x1  }
0x110: {  	v18 =	vadd.f32 v19, v18;
	v19 =	vperm.xlane v17, v1;
	_ =	sdelay $0x1  }
0x111: {  	v17 =	vadd.f32 v19, v17;
	v19 =	vperm.xlane v18, v2;
	_ =	sdelay $0x1  }
0x112: {  	v18 =	vadd.f32 v19, v18;
	v19 =	vperm.xlane v17, v2;
	_ =	sdelay $0x1  }
0x113: {  	v17 =	vadd.f32 v19, v17;
	v19 =	vperm.xlane v18, v3;
	_ =	sdelay $0x1  }
0x114: {  	v18 =	vadd.f32 v19, v18;
	v19 =	vperm.xlane v17, v3;
	_ =	sdelay $0x1  }
0x115: {  	v17 =	vadd.f32 v19, v17;
	v18 =	vmul.f32 $1.562500000e-02, v18;
	_ =	sdelay $0x1  }
0x116: {  	v17 =	vmul.f32 $1.562500000e-02, v17;
	v19 =	vmul.f32 v18, v18;
	v14 =	vsub.f32 v14, v18  }
0x117: {  	v15 =	vsub.f32 v15, v18;
	v16 =	vsub.f32 v16, v18  }
0x118: {  	v17 =	vsub.f32 v17, v19;
	_ =	sdelay $0x1  }
0x119: {  	v17 =	vadd.f32 $9.999999740e-06, v17;
	_ =	sdelay $0x1  }
0x11a: {  	v19 =	vshra.s32 v17, $0x1;
	v17 =	vmul.f32 $5.000000000e-01, v17  }
0x11b: {  	v19 =	vsub.s32 $0x5F3759DF, v19  }
0x11c: {  	v20 =	vmul.f32 v19, v17;
	_ =	sdelay $0x1  }
0x11d: {  	v20 =	vmul.f32 v19, v20;
	_ =	sdelay $0x1  }
0x11e: {  	v20 =	vsub.f32 $1.500000000e+00, v20;
	_ =	sdelay $0x1  }
0x11f: {  	v19 =	vmul.f32 v19, v20;
	_ =	sdelay $0x1  }
0x120: {  	v17 =	vmul.f32 v19, v17;
	_ =	sdelay $0x1  }
0x121: {  	v17 =	vmul.f32 v17, v19;
	_ =	sdelay $0x1  }
0x122: {  	v17 =	vsub.f32 $1.500000000e+00, v17;
	_ =	sdelay $0x1  }
0x123: {  	v17 =	vmul.f32 v17, v19  }
0x124: {  	v13 =	vsub.f32 v13, v18  }
0x125: {  	v14 =	vmul.f32 v17, v14;
	v15 =	vmul.f32 v17, v15  }
0x126: {  	v16 =	vmul.f32 v17, v16;
	v13 =	vmul.f32 v17, v13  }
0x127: {  	v14 =	vmul.f32 v14, v4;
	v15 =	vmul.f32 v15, v5  }
0x128: {  	v16 =	vmul.f32 v16, v6;
	v13 =	vmul.f32 v13, v7  }
0x129: {  	v14 =	vadd.f32 v14, v8  }
0x12a: {  	v15 =	vadd.f32 v15, v9  }
0x12b: {  	[tilespmem:v12+s21+$0x40 ss:$0x1] =	vst.idx.msk $0xffff, v14;
	v14 =	vadd.f32 v16, v10  }
0x12c: {  	v13 =	vadd.f32 v13, v11;
	[tilespmem:v12+s21+$0x50 ss:$0x1] =	vst.idx.msk $0xffff, v15  }
0x12d: {  	[tilespmem:v12+s21+$0x60 ss:$0x1] =	vst.idx.msk $0xffff, v14  }
0x12e: {  	[tilespmem:v12+s21+$0x70 ss:$0x1] =	vst.idx.msk $0xffff, v13;
	v13 =	vld.idx.msk [tilespmem:v12+s21+$0xB0 ss:$0x1], $0xffff  }
0x12f: {  	v14 =	vld.idx.msk [tilespmem:v12+s21+$0xA0 ss:$0x1], $0xffff  }
0x130: {  	v15 =	vld.idx.msk [tilespmem:v12+s21+$0x80 ss:$0x1], $0xffff  }
0x131: {  	v16 =	vld.idx.msk [tilespmem:v12+s21+$0x90 ss:$0x1], $0xffff;
	_ =	sdelay $0x3  }
0x132: {  	v17 =	vmul.f32 v14, v14  }
0x133: {  	v19 =	vmul.f32 v13, v13;
	v18 =	vmul.f32 v15, v15  }
0x134: {  	v21 =	vadd.f32 v13, v14;
	v20 =	vadd.f32 v16, v15;
	v22 =	vmul.f32 v16, v16  }
0x135: {  	v17 =	vadd.f32 v19, v17  }
0x136: {  	v19 =	vadd.f32 v21, v20;
	v18 =	vadd.f32 v22, v18;
	_ =	sdelay $0x1  }
0x137: {  	v17 =	vadd.f32 v17, v18;
	v18 =	vperm.xlane v19, v0;
	_ =	sdelay $0x1  }
0x138: {  	v18 =	vadd.f32 v19, v18;
	v19 =	vperm.xlane v17, v0;
	_ =	sdelay $0x1  }
0x139: {  	v17 =	vadd.f32 v17, v19;
	v19 =	vperm.xlane v18, v1;
	_ =	sdelay $0x1  }
0x13a: {  	v18 =	vadd.f32 v19, v18;
	v19 =	vperm.xlane v17, v1;
	_ =	sdelay $0x1  }
0x13b: {  	v17 =	vadd.f32 v19, v17;
	v19 =	vperm.xlane v18, v2;
	_ =	sdelay $0x1  }
0x13c: {  	v18 =	vadd.f32 v19, v18;
	v19 =	vperm.xlane v17, v2;
	_ =	sdelay $0x1  }
0x13d: {  	v17 =	vadd.f32 v19, v17;
	v19 =	vperm.xlane v18, v3;
	_ =	sdelay $0x1  }
0x13e: {  	v18 =	vadd.f32 v19, v18;
	v19 =	vperm.xlane v17, v3;
	_ =	sdelay $0x1  }
0x13f: {  	v17 =	vadd.f32 v19, v17;
	v18 =	vmul.f32 $1.562500000e-02, v18;
	_ =	sdelay $0x1  }
0x140: {  	v17 =	vmul.f32 $1.562500000e-02, v17;
	v19 =	vmul.f32 v18, v18;
	v15 =	vsub.f32 v15, v18  }
0x141: {  	v16 =	vsub.f32 v16, v18;
	v14 =	vsub.f32 v14, v18  }
0x142: {  	v17 =	vsub.f32 v17, v19;
	_ =	sdelay $0x1  }
0x143: {  	v17 =	vadd.f32 $9.999999740e-06, v17;
	_ =	sdelay $0x1  }
0x144: {  	v19 =	vshra.s32 v17, $0x1;
	v17 =	vmul.f32 $5.000000000e-01, v17  }
0x145: {  	v19 =	vsub.s32 $0x5F3759DF, v19  }
0x146: {  	v20 =	vmul.f32 v19, v17;
	_ =	sdelay $0x1  }
0x147: {  	v20 =	vmul.f32 v19, v20;
	_ =	sdelay $0x1  }
0x148: {  	v20 =	vsub.f32 $1.500000000e+00, v20;
	_ =	sdelay $0x1  }
0x149: {  	v19 =	vmul.f32 v19, v20;
	_ =	sdelay $0x1  }
0x14a: {  	v17 =	vmul.f32 v19, v17;
	_ =	sdelay $0x1  }
0x14b: {  	v17 =	vmul.f32 v17, v19;
	_ =	sdelay $0x1  }
0x14c: {  	v17 =	vsub.f32 $1.500000000e+00, v17;
	_ =	sdelay $0x1  }
0x14d: {  	v17 =	vmul.f32 v17, v19  }
0x14e: {  	v13 =	vsub.f32 v13, v18  }
0x14f: {  	v15 =	vmul.f32 v17, v15;
	v16 =	vmul.f32 v17, v16  }
0x150: {  	v14 =	vmul.f32 v17, v14;
	v13 =	vmul.f32 v17, v13  }
0x151: {  	v15 =	vmul.f32 v15, v4;
	v16 =	vmul.f32 v16, v5  }
0x152: {  	v14 =	vmul.f32 v14, v6;
	v13 =	vmul.f32 v13, v7  }
0x153: {  	v15 =	vadd.f32 v15, v8  }
0x154: {  	v16 =	vadd.f32 v16, v9  }
0x155: {  	v14 =	vadd.f32 v14, v10;
	[tilespmem:v12+s21+$0x80 ss:$0x1] =	vst.idx.msk $0xffff, v15  }
0x156: {  	v13 =	vadd.f32 v13, v11;
	[tilespmem:v12+s21+$0x90 ss:$0x1] =	vst.idx.msk $0xffff, v16  }
0x157: {  	[tilespmem:v12+s21+$0xA0 ss:$0x1] =	vst.idx.msk $0xffff, v14  }
0x158: {  	[tilespmem:v12+s21+$0xB0 ss:$0x1] =	vst.idx.msk $0xffff, v13;
	v17 =	vld.idx.msk [tilespmem:v12+s21+$0xF0 ss:$0x1], $0xffff  }
0x159: {  	v14 =	vld.idx.msk [tilespmem:v12+s21+$0xE0 ss:$0x1], $0xffff  }
0x15a: {  	v13 =	vld.idx.msk [tilespmem:v12+s21+$0xC0 ss:$0x1], $0xffff  }
0x15b: {  	v15 =	vld.idx.msk [tilespmem:v12+s21+$0xD0 ss:$0x1], $0xffff;
	_ =	sdelay $0x3  }
0x15c: {  	v16 =	vmul.f32 v14, v14  }
0x15d: {  	v20 =	vmul.f32 v17, v17;
	v18 =	vadd.f32 v17, v14;
	v19 =	vmul.f32 v13, v13  }
0x15e: {  	v21 =	vadd.f32 v15, v13;
	v22 =	vmul.f32 v15, v15  }
0x15f: {  	v16 =	vadd.f32 v20, v16  }
0x160: {  	v18 =	vadd.f32 v18, v21;
	v19 =	vadd.f32 v22, v19;
	_ =	sdelay $0x1  }
0x161: {  	v16 =	vadd.f32 v16, v19;
	v19 =	vperm.xlane v18, v0;
	_ =	sdelay $0x1  }
0x162: {  	v18 =	vadd.f32 v18, v19;
	v19 =	vperm.xlane v16, v0;
	_ =	sdelay $0x1  }
0x163: {  	v16 =	vadd.f32 v16, v19;
	v19 =	vperm.xlane v18, v1;
	_ =	sdelay $0x1  }
0x164: {  	v18 =	vadd.f32 v19, v18;
	v19 =	vperm.xlane v16, v1;
	_ =	sdelay $0x1  }
0x165: {  	v16 =	vadd.f32 v19, v16;
	v19 =	vperm.xlane v18, v2;
	_ =	sdelay $0x1  }
0x166: {  	v18 =	vadd.f32 v19, v18;
	v19 =	vperm.xlane v16, v2;
	_ =	sdelay $0x1  }
0x167: {  	v16 =	vadd.f32 v19, v16;
	v19 =	vperm.xlane v18, v3;
	_ =	sdelay $0x1  }
0x168: {  	v18 =	vadd.f32 v19, v18;
	v19 =	vperm.xlane v16, v3;
	_ =	sdelay $0x1  }
0x169: {  	v16 =	vadd.f32 v19, v16;
	v18 =	vmul.f32 $1.562500000e-02, v18;
	_ =	sdelay $0x1  }
0x16a: {  	v16 =	vmul.f32 $1.562500000e-02, v16;
	v19 =	vmul.f32 v18, v18;
	v13 =	vsub.f32 v13, v18  }
0x16b: {  	v15 =	vsub.f32 v15, v18;
	v14 =	vsub.f32 v14, v18  }
0x16c: {  	v16 =	vsub.f32 v16, v19;
	_ =	sdelay $0x1  }
0x16d: {  	v16 =	vadd.f32 $9.999999740e-06, v16;
	_ =	sdelay $0x1  }
0x16e: {  	v19 =	vshra.s32 v16, $0x1;
	v16 =	vmul.f32 $5.000000000e-01, v16  }
0x16f: {  	v19 =	vsub.s32 $0x5F3759DF, v19  }
0x170: {  	v20 =	vmul.f32 v19, v16;
	_ =	sdelay $0x1  }
0x171: {  	v20 =	vmul.f32 v19, v20;
	_ =	sdelay $0x1  }
0x172: {  	v20 =	vsub.f32 $1.500000000e+00, v20;
	_ =	sdelay $0x1  }
0x173: {  	v19 =	vmul.f32 v19, v20;
	_ =	sdelay $0x1  }
0x174: {  	v16 =	vmul.f32 v19, v16;
	_ =	sdelay $0x1  }
0x175: {  	v16 =	vmul.f32 v16, v19  }
.Ltmp2:
0x176: {  	(pc) =	sbr.rel @p1 .LBB2_7-.Ltmp2, $3  }
0x177: {  	v16 =	vsub.f32 $1.500000000e+00, v16;
	_ =	sdelay $0x1  }
0x178: {  	v16 =	vmul.f32 v16, v19  }
0x179: {  	v17 =	vsub.f32 v17, v18  }
0x17a: {  	v13 =	vmul.f32 v16, v13  }
0x17b: {  	v15 =	vmul.f32 v16, v15  }
0x17c: {  	v14 =	vmul.f32 v16, v14;
	v13 =	vmul.f32 v13, v4  }
0x17d: {  	v62 =	vmul.f32 v16, v17;
	v15 =	vmul.f32 v15, v5  }
0x17e: {  	v14 =	vmul.f32 v14, v6;
	v13 =	vadd.f32 v13, v8  }
0x17f: {  	v16 =	vmul.f32 v62, v7;
	v15 =	vadd.f32 v15, v9  }
0x180: {  	s20 =	sshll.u32 s20, $0xF;
	p1 =	sne.s32 s18, $0x32;
	v14 =	vadd.f32 v14, v10;
	[tilespmem:v12+s21+$0xC0 ss:$0x1] =	vst.idx.msk $0xffff, v13  }
.Ltmp3:
0x181: {  	s20 =	sadd.s32 s8, s20;
	v63 =	vadd.f32 v16, v11;
	[tilespmem:v12+s21+$0xD0 ss:$0x1] =	vst.idx.msk $0xffff, v15;
	(pc) =	sbr.rel @p1 .LBB2_2-.Ltmp3, $4  }
0x182: {  	s20 =	sshrl.u32 s20, $0x3;
	[tilespmem:v12+s21+$0xE0 ss:$0x1] =	vst.idx.msk $0xffff, v14  }
0x183: {  	s19 =	sadd.s32 $0x3, s19;
	s20 =	sadd.s32 s4, s20;
	[tilespmem:v12+s21+$0xF0 ss:$0x1] =	vst.idx.msk $0xffff, v63  }
0x184: {  	[hbm4b:s20+s5] =	stream.linear.scatter [tilespmem:s22], [sflag:s19], $0x8000, $0x38;
	[tilespmem:$0x16480] =	vst v63  }
0x185: {  	p0 =	por !p0, !p0;
	s20 =	smov.u32 s18  }
0x186: {  	s17 =	sadd.s32 $0x1, s17  }
0x187: {  	_ =	swait.ge [sflag:s15], $0x8000;
	p0 =	sne.s32 s17, s9  }
.Ltmp4:
0x188: {  	[sflag:s15] =	ssyncset.done $0x0;
	(pc) =	sbr.rel @p0 .LBB2_1-.Ltmp4, $4  }
0x189: {  	[sflag:s15] =	ssyncadd.s32 $0xFFFF8000  }
0x18a: {  	_ =	swait.ge [sflag:s16], $0x8000  }
0x18b: {  	[sflag:s16] =	ssyncset.done $0x0  }
0x18c: {  	[sflag:s16] =	ssyncadd.s32 $0xFFFF8000  }
0x18d: {  	_ =	sfence.sel $0x180000  }
0x18e: {  	[bflag:$0x0] =	sbarrier.arrive $0xFFFF  }
0x18f: {  	p0 =	sne.s32 s1, $0x0;
	_ =	strace $0x90000047  }
0x190: {  	s0 =	sadd.s32 @!p0 $0x100000, s3;
	[bflag:$0x2] =	sbarrier.arrive $0xFFFF  }
0x191: {  	[sflag:s0] =	ssyncadd.tile.s32 @!p0 $0x1;
	_ =	shalt  }
.Lfunc_end2:
_tile_overlayer_lowered:
.L_overlay_start_2:
0x192: {  	(tag) =	ssettag $0x2  }
0x193: {  	s0 =	rddreg [dreg:$0x0];
	s2 =	stileid.u32  }
0x194: {  	s1 =	rddreg [dreg:$0x1];
	p0 =	sne.s32 s2, $0x0  }
0x195: {  	s3 =	rddreg [dreg:$0x2];
	[bflag:$0x3] =	sbarrier.arrive $0xFFFF;
	s2 =	simm.s32 @!p0 $0x1C05  }
0x196: {  	[timem:s3], [sflag:s2] =	dma.local @!p0 [hbm:s0], s1  }
0x197: {  	s0 =	simm.s32 @!p0 $0x5  }
0x198: {  	_ =	swait.ge @!p0 [sflag:s0], s1  }
0x199: {  	s1 =	ssub.s32 @!p0 $0x0, s1;
	[sflag:s0] =	ssyncset.done @!p0 $0x0  }
0x19a: {  	[sflag:s0] =	ssyncadd.s32 @!p0 s1  }
0x19b: {  	[bflag:$0x3] =	sbarrier.arrive $0xFFFF  }
0x19c: {  	_ =	shalt  }

// kernel: sparse-core-data-format-call.cloned.1.call-start
scs
called_computation_lowered:
.L_overlay_start_0:
0x0: {  	s2 =	sld [smem:$0x3FD9]  }
0x1: {  	s3 =	sld [smem:$0x3FFE];
	_ =	sdelay $0x1  }
0x2: {  	s1 =	srdreg.scid  }
0x3: {  	s0 =	sand.u32 $0x1, s1  }
0x4: {  	s18 =	sshll.u32 s0, $0xA;
	s2 =	sadd.s32 s3, s2  }
0x5: {  	s2 =	sadd.s32 s2, s18  }
0x6: {  	[smem:$0x3FC4] =	sst s2  }
0x7: {  	_ = 	snop  }
0x8: {  	s2 =	sld [smem:$0x3FD0];
	(tm) =	ssettm $0x1  }
0x9: {  	s19 =	sld [smem:$0x3FFB];
	_ =	sdelay $0x3  }
0xa: {  	_ =	strace s19  }
0xb: {  	s3 =	sld [smem:$0x3FFC];
	_ =	sdelay $0x3  }
0xc: {  	_ =	strace s3  }
0xd: {  	s3 =	sld [smem:$0x3FFD];
	_ =	sdelay $0x3  }
0xe: {  	_ =	strace s3  }
0xf: {  	_ =	strace $0x8FFFFFFF  }
0x10: {  	s20 =	sld [smem:$0x3FDB];
	_ =	sdelay $0x1  }
0x11: {  	s4 =	simm.s32 $_scs_section_size  }
0x12: {  	s5 =	simm.s32 $_size__tile_overlayer_lowered;
	s6 =	simm.s32 $_tile_overlayer_lowered  }
0x13: {  	s23 =	simm.s32 $0x1BFF;
	s22 =	sshll.u32 s6, $0x1;
	s3 =	sadd.s32 s4, s20  }
0x14: {  	s7 =	simm.s32 $0x0;
	s21 =	sshll.u32 s5, $0x1;
	s5 =	sadd.s32 s22, s3  }
0x15: {  	[timem:s7], [sflag:s23] =	dma.local [hbm:s5], s21  }
0x16: {  	_ =	swait.ge [sflag:s23], s21  }
0x17: {  	s4 =	ssub.s32 $0x0, s21;
	[sflag:s23] =	ssyncset.done $0x0  }
0x18: {  	[sflag:s23] =	ssyncadd.s32 s4;
	_ =	sdelay $0x1  }
0x19: {  	s24 =	simm.s32 $0x1B8B  }
0x1a: {  	_ =	swait.ge [sflag:s24], $0x1  }
0x1b: {  	[sflag:s24] =	ssyncset.done $0x0  }
0x1c: {  	s26 =	simm.s32 $0x1B8E;
	s25 =	sld [smem:$0x3FFE];
	[sflag:s24] =	ssyncadd.s32 $0xFFFFFFFF  }
0x1d: {  	s27 =	simm.s32 $execute0_lowered;
	[smem:$0x3FD2] =	sst s26  }
0x1e: {  	s5 =	sshll.u32 s27, $0x1;
	_ =	strace $0x80000049;
	[dreg:$0x1] =	wrdreg $0xFFFFFFFF  }
0x1f: {  	s28 =	simm.s32 $_size_execute0_lowered;
	s3 =	sadd.s32 s3, s5;
	[dreg:$0x0] =	wrdreg $0x0  }
0x20: {  	s5 =	sshll.u32 s28, $0x1;
	[dreg:$0x2] =	wrdreg s3  }
0x21: {  	[dreg:$0x3] =	wrdreg s5  }
0x22: {  	[dreg:$0x4] =	wrdreg $0xC0  }
0x23: {  	_ =	task [dreg:s7], $0x5FFFF  }
0x24: {  	[dreg:$0x1] =	wrdreg $0xFFFFFFFF  }
0x25: {  	[dreg:$0x0] =	wrdreg $0x60  }
0x26: {  	[dreg:$0x2] =	wrdreg s25  }
0x27: {  	[dreg:$0x3] =	wrdreg s2  }
0x28: {  	[dreg:$0x4] =	wrdreg $0x9  }
0x29: {  	_ =	task.clear_ibuf [dreg:s7], $0x5FFFF;
	_ =	strace $0x90000049  }
0x2a: {  	s29 =	simm.s32 $0x9;
	_ =	strace $0x8000004B  }
0x2b: {  	_ =	swait.ge [sflag:s29], $0x1  }
0x2c: {  	[sflag:s29] =	ssyncadd.s32 $0xFFFFFFFF  }
0x2d: {  	_ =	strace $0x9000004B  }
0x2e: {  	_ =	sfence  }
0x2f: {  	s30 =	sld [smem:$0x0];
	_ =	sdelay $0x2  }
0x30: {  	s31 =	sshll.u32 s1, $0xD;
	s1 =	sshrl.u32 s1, $0x2  }
0x31: {  	s3 =	sand.u32 $0x4000, s31;
	s1 =	sadd.s32 s1, s30  }
0x32: {  	s0 =	sor.u32 s3, s0;
	s1 =	sshll.u32 s1, $0x11  }
0x33: {  	s0 =	sor.u32 s1, s0  }
0x34: {  	s0 =	sadd.s32 $0x8F2B, s0  }
0x35: {  	[sflag:s0] =	ssyncadd.remote.s32 $0x1  }
0x36: {  	_ =	sfence.sel $0xFFFF  }
0x37: {  	[dreg:$0x0] =	wrdreg $0xFFFFFFFF;
	(pc) =	sbr.abs _section_cstart, $3  }
0x38: {  	[dreg:$0x1] =	wrdreg $0xFFFFFFFF  }
0x39: {  	_ =	task.clear_ibuf [dreg:s7], $0x2FFFF;
	_ =	strace $0x9FFFFFFF  }
0x3a: {  	(tm) =	ssettm $0x7FFFFFFF  }
0x3b: {  	_ =	shalt  }
tec
execute0_lowered:
.L_overlay_start_1:
0x0: {  	(tag) =	ssettag $0x1  }
0x1: {  	s0 =	srdreg.scid  }
0x2: {  	s1 =	sshll.u32 s0, $0x4  }
0x3: {  	s0 =	stileid.u32;
	s1 =	sand.u32 $0x10, s1  }
0x4: {  	s1 =	sor.u32 s0, s1  }
0x5: {  	s6 =	rddreg [dreg:$0x0];
	s4 =	simm.s32 $0x1;
	s2 =	sshll.u32 s1, $0x7  }
0x6: {  	s7 =	simm.s32 $0x2;
	s12 =	simm.s32 $0x0;
	s1 =	ssub.s32 $0x4000, s2  }
0x7: {  	s8 =	simm.s32 $0x20000;
	s13 =	simm.s32 $0x0;
	s3 =	sand.u32 $0xF80, s1  }
0x8: {  	s9 =	simm.s32 $0x0;
	s5 =	sshrl.u32 s1, $0xC;
	p0 =	sne.s32 s3, $0x0  }
.Ltmp0:
0x9: {  	s1 =	rddreg [dreg:$0x2];
	s4 =	simm.s32 @!p0 $0x0;
	(pc) =	sbr.rel .LBB1_1-.Ltmp0, $4  }
0xa: {  	s11 =	simm.s32 $0x0;
	s3 =	rddreg [dreg:$0x1];
	s5 =	sadd.s32 s4, s5  }
0xb: {  	_ =	strace $0x8000004A;
	s4 =	simm.s32 $0x1;
	s5 =	smul.u32 $0x32, s5  }
0xc: {  	s6 =	sadd.s32 $0xA00, s6;
	s10 =	smov.u32 s2;
	[sflag:s4] =	ssyncpa.u1 $0x0  }
0xd: {  	p0 =	por $0x0, $0x0;
	[sflag:s7] =	ssyncpa.u1 $0x0;
	s7 =	sor.u32 $0x1, s5  }
.LBB1_4:
0xe: {  	s16 =	sshll.u32 s13, $0x3;
	s17 =	sand.u32 $0x78, s13  }
0xf: {  	s30 =	sand.u32 $0x1F800, s13;
	s12 =	sshll.u32 s12, $0x11;
	s16 =	sand.u32 $0x3C00, s16  }
0x10: {  	[tilespmem:s15+$0x810 ss:$0x81] =	vst.msk $0xffff, v2;
	s31 =	sand.u32 $0x7, s13;
	s16 =	sor.u32 s17, s16;
	s17 =	sadd.s32 s3, s30  }
0x11: {  	[tilespmem:s15+$0x1020 ss:$0x81] =	vst.msk $0xffff, v0;
	s13 =	sshll.u32 s31, $0x12;
	s12 =	sadd.s32 s12, s17;
	s16 =	sshrl.u32 s16, $0x3  }
0x12: {  	[tilespmem:s15+$0x0 ss:$0x81] =	vst.msk $0xffff, v1;
	s13 =	sor.u32 $0x400, s13;
	s12 =	sadd.s32 s16, s12  }
0x13: {  	[hbm4b:s12+s13] =	stream.strided.scatter [tilespmem:s14], [sflag:$0x2], $0x2000, s8, s13, $0x20;
	[tilespmem:$0x8080] =	vst v63  }
.LBB1_5:
0x14: {  	s14 =	sadd.s32 $0x1, s9  }
0x15: {  	s12 =	sadd.s32 $0x1000, s10;
	s16 =	smov.u32 s10;
	p2 =	sgt.s32 s14, $0x31  }
0x16: {  	s16 =	smov.u32 @p2 s12  }
0x17: {  	s14 =	simm.s32 @p2 $0x0;
	p2 =	sgt.s32 s16, $0x3FFF  }
0x18: {  	s16 =	smov.u32 @p2 s2;
	p2 =	sne.s32 s11, s7  }
.Ltmp1:
0x19: {  	p1 =	slt.u32 s11, $0x2;
	(pc) =	sbr.rel @!p2 .LBB1_6-.Ltmp1, $4  }
0x1a: {  	s15 =	simm.s32 @!p1 $0x2  }
0x1b: {  	s13 =	smov.u32 s10;
	p0 =	por !p0, !p0;
	_ =	swait.ge @!p1 [sflag:s15], $0x2000  }
0x1c: {  	s12 =	smov.u32 s9;
	[sflag:s15] =	ssyncset.done @!p1 $0x0;
	s9 =	smov.u32 s14  }
0x1d: {  	s11 =	sadd.s32 $0x1, s11;
	[sflag:s15] =	ssyncadd.s32 @!p1 $0xFFFFE000;
	s10 =	smov.u32 s16  }
.LBB1_1:
0x1e: {  	p1 =	sge.u32 s11, s5  }
0x1f: {  	s14 =	sand.u32 @!p1 $0x1FFFFFF, s9  }
0x20: {  	s15 =	smulhi.u32 @!p1 $0x4924925, s14;
	_ =	sdelay $0x1  }
0x21: {  	s15 =	smul.u32 @!p1 $0x38, s15  }
0x22: {  	s16 =	sxor.u32 @!p1 $0xFFFFFFFF, s11;
	s17 =	smul.u32 @!p1 $0x380, s10  }
0x23: {  	s31 =	sadd.s32 $0xFFFFFFFF, s11;
	s16 =	sshll.u32 @!p1 s16, $0xD;
	s14 =	ssub.s32 @!p1 s14, s15  }
0x24: {  	s15 =	sand.u32 @!p1 $0x2000, s16;
	s16 =	sadd.s32 @!p1 s6, s17;
	s14 =	sshll.u32 @!p1 s14, $0x4  }
0x25: {  	s17 =	simm.s32 @!p1 $0x1C00;
	s14 =	sadd.s32 @!p1 s14, s16;
	s16 =	simm.s32 @!p1 $0x40  }
0x26: {  	[tilespmem:s15], [sflag:$0x1] =	stream.strided.gather @!p1 [hbm4b:s14+s16], $0x2000, s17, s16, $0x38;
	[tilespmem:$0x8080] =	vst v63  }
0x27: {  	p1 =	sge.u32 s31, s5  }
.Ltmp2:
0x28: {  	_ = 	snop;
	(pc) =	sbr.rel @p1 .LBB1_5-.Ltmp2, $1  }
0x29: {  	_ =	sdelay $0x3  }
0x2a: {  	s14 =	simm.s32 $0x1  }
0x2b: {  	_ =	swait.ge [sflag:s4], $0x2000;
	s14 =	simm.s32 @!p0 $0x0  }
0x2c: {  	[sflag:s4] =	ssyncset.done $0x0;
	s15 =	sshll.u32 s14, $0xD  }
0x2d: {  	[sflag:s4] =	ssyncadd.s32 $0xFFFFE000;
	s18 =	sor.u32 $0x20, s15  }
0x2e: {  	s14 =	smul.u32 $0x8100, s14;
	v3 =	vld [tilespmem:s18+$0x10]  }
0x2f: {  	s30 =	sand.u32 $0x1, s11;
	v2 =	vld [tilespmem:s18+$0xFFFFFFF0]  }
0x30: {  	s15 =	smul.u32 $0x8100, s30;
	s14 =	sshrl.u32 s14, $0x2;
	v0 =	vld [tilespmem:s18+$0x0]  }
0x31: {  	v1 =	vld [tilespmem:s18+$0xFFFFFFE0];
	s16 =	sor.u32 $0x4000, s14  }
0x32: {  	s31 =	sshrl.u32 s15, $0x2;
	s15 =	sadd.s32 $0x0, s16  }
0x33: {  	s17 =	simm.s32 $0x4;
	s18 =	sadd.s32 $0x40, s18;
	s14 =	sor.u32 $0x4000, s31;
	[tilespmem:s15+$0x1830 ss:$0x81] =	vst.msk $0xffff, v3  }
.LBB1_3:
0x34: {  	v3 =	vld [tilespmem:s18+$0x10];
	p1 =	sne.s32 s17, $0x1FC;
	[tilespmem:s15+$0x810 ss:$0x81] =	vst.msk $0xffff, v2;
	s19 =	smov.u32 s17;
	s17 =	sadd.s32 $0x4, s17  }
.Ltmp3:
0x35: {  	v2 =	vld [tilespmem:s18+$0xFFFFFFF0];
	[tilespmem:s15+$0x1020 ss:$0x81] =	vst.msk $0xffff, v0;
	(pc) =	sbr.rel @p1 .LBB1_3-.Ltmp3, $4  }
0x36: {  	v0 =	vld [tilespmem:s18+$0x0];
	[tilespmem:s15+$0x0 ss:$0x81] =	vst.msk $0xffff, v1  }
0x37: {  	s15 =	sshra.s32 s19, $0x2;
	v1 =	vld [tilespmem:s18+$0xFFFFFFE0]  }
0x38: {  	s15 =	sadd.s32 s15, s16  }
0x39: {  	s18 =	sadd.s32 $0x40, s18;
	[tilespmem:s15+$0x1830 ss:$0x81] =	vst.msk $0xffff, v3  }
.Ltmp4:
0x3a: {  	_ = 	snop;
	(pc) =	sbr.rel .LBB1_4-.Ltmp4, $1  }
0x3b: {  	_ =	sdelay $0x3  }
.LBB1_6:
0x3c: {  	_ =	sfence.sel $0x180000  }
0x3d: {  	s2 =	simm.s32 $0x1;
	[bflag:$0x0] =	sbarrier.arrive $0xFFFF  }
0x3e: {  	s31 =	simm.s32 $0x2;
	[sflag:s2] =	ssyncpa.u1 $0x1  }
0x3f: {  	[sflag:s31] =	ssyncpa.u1 $0x1  }
0x40: {  	p0 =	sne.s32 s0, $0x0;
	_ =	strace $0x9000004A  }
0x41: {  	s0 =	sadd.s32 @!p0 $0x100000, s1;
	[bflag:$0x2] =	sbarrier.arrive $0xFFFF  }
0x42: {  	[sflag:s0] =	ssyncadd.tile.s32 @!p0 $0x1;
	_ =	shalt  }
.Lfunc_end1:
_tile_overlayer_lowered:
.L_overlay_start_2:
0x43: {  	(tag) =	ssettag $0x2  }
0x44: {  	s0 =	rddreg [dreg:$0x0];
	s2 =	stileid.u32  }
0x45: {  	s1 =	rddreg [dreg:$0x1];
	p0 =	sne.s32 s2, $0x0  }
0x46: {  	s3 =	rddreg [dreg:$0x2];
	[bflag:$0x3] =	sbarrier.arrive $0xFFFF;
	s2 =	simm.s32 @!p0 $0x1C01  }
0x47: {  	[timem:s3], [sflag:s2] =	dma.local @!p0 [hbm:s0], s1  }
0x48: {  	s0 =	simm.s32 @!p0 $0x1  }
0x49: {  	_ =	swait.ge @!p0 [sflag:s0], s1  }
0x4a: {  	s1 =	ssub.s32 @!p0 $0x0, s1;
	[sflag:s0] =	ssyncset.done @!p0 $0x0  }
0x4b: {  	[sflag:s0] =	ssyncadd.s32 @!p0 s1  }
0x4c: {  	[bflag:$0x3] =	sbarrier.arrive $0xFFFF  }
0x4d: {  	_ =	shalt  }

</sc_bundles>
